<compile_context>
chip_gen: v7x
topology: tpu7x:2x2x1
jax: 0.10.2.dev20260603
libtpu: 0.0.44.dev20260713+nightly
codegen_flags: <defaults>
</compile_context>

<pallas_src>
import functools

import jax
import jax.numpy as jnp
from jax import lax
from jax.experimental import pallas as pl
from jax.experimental.pallas import tpu as pltpu
from jax.experimental.pallas import tpu_sc as plsc

D = 128
NUM_CORES = 2
NUM_SUBCORES = 16
NW = NUM_CORES * NUM_SUBCORES
NBUF = 6


@jax.jit
def _lookup_t(idx_t, embeddings):
    row, nb = idx_t.shape
    per_tile = nb // NW
    assert nb % NW == 0 and (row - 2) % NBUF == 0
    mesh = plsc.VectorSubcoreMesh(core_axis_name="c", subcore_axis_name="s")

    @functools.partial(
        pl.kernel,
        mesh=mesh,
        out_type=jax.ShapeDtypeStruct((row, nb, D), jnp.float32),
        scratch_types=[
            pltpu.VMEM((row, per_tile), jnp.int32),
            pltpu.VMEM((per_tile, D), jnp.float32),
            pltpu.VMEM((per_tile, D), jnp.float32),
            pltpu.VMEM((per_tile, D), jnp.float32),
            pltpu.VMEM((per_tile, D), jnp.float32),
            pltpu.VMEM((per_tile, D), jnp.float32),
            pltpu.VMEM((per_tile, D), jnp.float32),
            pltpu.SemaphoreType.DMA,
            pltpu.SemaphoreType.DMA,
            pltpu.SemaphoreType.DMA,
            pltpu.SemaphoreType.DMA,
            pltpu.SemaphoreType.DMA,
            pltpu.SemaphoreType.DMA,
            pltpu.SemaphoreType.DMA,
            pltpu.SemaphoreType.DMA,
            pltpu.SemaphoreType.DMA,
            pltpu.SemaphoreType.DMA,
            pltpu.SemaphoreType.DMA,
            pltpu.SemaphoreType.DMA,
        ],
    )
    def k(idx_hbm, table_hbm, out_hbm, idx_v,
          b_0, b_1, b_2, b_3, b_4, b_5,
          s_0, s_1, s_2, s_3, s_4, s_5,
          o_0, o_1, o_2, o_3, o_4, o_5):
        wid = lax.axis_index("s") * NUM_CORES + lax.axis_index("c")
        b0 = wid * per_tile
        pltpu.sync_copy(idx_hbm.at[:, pl.ds(b0, per_tile)], idx_v)

        bufs = (b_0, b_1, b_2, b_3, b_4, b_5)
        gs = (s_0, s_1, s_2, s_3, s_4, s_5)
        os_ = (o_0, o_1, o_2, o_3, o_4, o_5)
        nbuf = NBUF

        def gather(j, p):
            return pltpu.make_async_copy(table_hbm.at[idx_v.at[j]], bufs[p], gs[p])

        def ocopy(j, p):
            return pltpu.make_async_copy(
                bufs[p], out_hbm.at[j, pl.ds(b0, per_tile)], os_[p]
            )

        for j in range(nbuf - 1):
            gather(j, j).start()
        gather(0, 0).wait()
        ocopy(0, 0).start()
        gather(nbuf - 1, nbuf - 1).start()

        def body(h, carry):
            for p6 in range(nbuf):
                j = nbuf * h + p6 + 1
                p = (p6 + 1) % nbuf
                q = (p + nbuf - 1) % nbuf
                gather(j, p).wait()
                ocopy(j, p).start()

                @pl.when(j + nbuf - 1 < row)
                def _():
                    ocopy(j - 1, q).wait()
                    gather(j + nbuf - 1, q).start()
            return carry

        lax.fori_loop(0, (row - 2) // nbuf, body, 0)
        j = row - 1
        gather(j, j % nbuf).wait()
        ocopy(j, j % nbuf).start()
        for c in range(row - nbuf, row):
            ocopy(c, c % nbuf).wait()

    return k(idx_t, embeddings)


def kernel(inputs, embeddings):
    idx_t = jnp.transpose(inputs.astype(jnp.int32))
    out_t = _lookup_t(idx_t, embeddings)
    return jnp.transpose(out_t, (1, 0, 2))

# --- scband reference (transcript-rebuilt; emitter-appended) ---
"""Pipeline reference for scband-embedding-lookup-55327768708218 (READ-ONLY COPY).

The authoritative reference and input builder live on the scoring server;
editing this copy changes nothing except your own understanding.
"""

import jax, jax.numpy as jnp
import numpy as np

VOCAB_SIZE = 100000
EMBEDDING_SIZE = 128


def setup_inputs(seed: int = 0) -> dict:
    key = jax.random.key(seed)
    k1, k2 = jax.random.split(key)
    inputs = jax.random.randint(k1, (4096, 50), 0, VOCAB_SIZE, dtype=jnp.int64 if jax.config.jax_enable_x64 else jnp.int32)
    embeddings = jax.random.normal(k2, (VOCAB_SIZE, EMBEDDING_SIZE), dtype=jnp.float32) * 0.02
    return {"inputs": inputs, "embeddings": embeddings}


def reference(inputs, embeddings):
    # Faithful translation of EmbeddingLookup.call:
    #   flat_input = reshape(inputs, [-1]); gather; reshape back with trailing embed dim
    input_shape = inputs.shape
    flat_input = jnp.reshape(inputs, (-1,))
    output = jnp.take(embeddings, flat_input, axis=0)
    output = jnp.reshape(output, tuple(input_shape) + (EMBEDDING_SIZE,))
    return output

if __name__ == "__main__":
    import jax
    _d = setup_inputs()
    print(jax.jit(kernel)(*tuple(_d.values())))

</pallas_src>

<mosaic_0001>
#map = affine_map<(d0, d1) -> (0, 0)>
#map1 = affine_map<(d0, d1) -> (0, 0, 0)>
module attributes {stable_mosaic.version = 14 : i64} {
  func.func @k(%arg0: i32, %arg1: i32, %arg2: memref<50x4096xi32, #tpu.memory_space<hbm>>, %arg3: memref<100000x128xf32, #tpu.memory_space<hbm>>, %arg4: memref<50x4096x128xf32, #tpu.memory_space<hbm>>, %arg5: memref<50x128xi32, #tpu.memory_space<vmem>>, %arg6: memref<128x128xf32, #tpu.memory_space<vmem>>, %arg7: memref<128x128xf32, #tpu.memory_space<vmem>>, %arg8: memref<128x128xf32, #tpu.memory_space<vmem>>, %arg9: memref<128x128xf32, #tpu.memory_space<vmem>>, %arg10: memref<128x128xf32, #tpu.memory_space<vmem>>, %arg11: memref<128x128xf32, #tpu.memory_space<vmem>>, %arg12: memref<!tpu.dma_semaphore, #tpu.memory_space<semaphore_mem>>, %arg13: memref<!tpu.dma_semaphore, #tpu.memory_space<semaphore_mem>>, %arg14: memref<!tpu.dma_semaphore, #tpu.memory_space<semaphore_mem>>, %arg15: memref<!tpu.dma_semaphore, #tpu.memory_space<semaphore_mem>>, %arg16: memref<!tpu.dma_semaphore, #tpu.memory_space<semaphore_mem>>, %arg17: memref<!tpu.dma_semaphore, #tpu.memory_space<semaphore_mem>>, %arg18: memref<!tpu.dma_semaphore, #tpu.memory_space<semaphore_mem>>, %arg19: memref<!tpu.dma_semaphore, #tpu.memory_space<semaphore_mem>>, %arg20: memref<!tpu.dma_semaphore, #tpu.memory_space<semaphore_mem>>, %arg21: memref<!tpu.dma_semaphore, #tpu.memory_space<semaphore_mem>>, %arg22: memref<!tpu.dma_semaphore, #tpu.memory_space<semaphore_mem>>, %arg23: memref<!tpu.dma_semaphore, #tpu.memory_space<semaphore_mem>>) attributes {dimension_semantics = [#tpu.dimension_semantics<core_parallel>, #tpu.dimension_semantics<subcore_parallel>], iteration_bounds = array<i64: 2, 16>, scalar_prefetch = 0 : i64, scratch_operands = 19 : i64, tpu.core_type = #tpu.core_type<sc_vector_subcore>, window_params = [{transform_indices = #map}, {transform_indices = #map}, {transform_indices = #map1}]} {
    %mul3A = arith.constant 2 : i32
    %mul3A_0 = arith.muli %arg1, %mul3A : i32
    %add3A = arith.addi %mul3A_0, %arg0 : i32
    %mul3A_1 = arith.constant 128 : i32
    %mul3A_2 = arith.muli %add3A, %mul3A_1 : i32
    "tpu.region"() ({
      %run_scoped3A = tpu.sem_alloc : memref<!tpu.dma_semaphore, #tpu.memory_space<semaphore_mem>>
      %dma_start3A_118 = arith.constant 0 : i32
      %dma_start3A_119 = tpu.memref_slice %arg2[%dma_start3A_118, %mul3A_2] : memref<50x4096xi32, #tpu.memory_space<hbm>> -> memref<50x128xi32, #tpu.memory_space<hbm>>
      %dma_start3A_120 = arith.constant 0 : i32
      %dma_start3A_121 = tpu.memref_slice %arg2[%dma_start3A_120, %mul3A_2] : memref<50x4096xi32, #tpu.memory_space<hbm>> -> memref<50x128xi32, #tpu.memory_space<hbm>>
      tpu.enqueue_dma source(%dma_start3A_121 : memref<50x128xi32, #tpu.memory_space<hbm>>) target(%arg5 : memref<50x128xi32, #tpu.memory_space<vmem>>) target_semaphore(%run_scoped3A : memref<!tpu.dma_semaphore, #tpu.memory_space<semaphore_mem>>)
      %dma_wait3A_122 = arith.constant 0 : i32
      %dma_wait3A_123 = tpu.memref_slice %arg2[%dma_wait3A_122, %mul3A_2] : memref<50x4096xi32, #tpu.memory_space<hbm>> -> memref<50x128xi32, #tpu.memory_space<hbm>>
      %dma_wait3A_124 = arith.constant 0 : i32
      %dma_wait3A_125 = tpu.memref_slice %arg2[%dma_wait3A_124, %mul3A_2] : memref<50x4096xi32, #tpu.memory_space<hbm>> -> memref<50x128xi32, #tpu.memory_space<hbm>>
      tpu.wait_dma2 semaphore(%run_scoped3A : memref<!tpu.dma_semaphore, #tpu.memory_space<semaphore_mem>>) src(%dma_wait3A_125 : memref<50x128xi32, #tpu.memory_space<hbm>>) dst(%arg5 : memref<50x128xi32, #tpu.memory_space<vmem>>)
      tpu.yield
    }) : () -> ()
    %dma_start3A = arith.constant 0 : i32
    %dma_start3A_3 = arith.constant 0 : i32
    %dma_start3A_4 = tpu.memref_slice %arg5[%dma_start3A, %dma_start3A_3] : memref<50x128xi32, #tpu.memory_space<vmem>> -> memref<1x128xi32, #tpu.memory_space<vmem>>
    %dma_start3A_5 = tpu.memref_squeeze %dma_start3A_4 : memref<1x128xi32, #tpu.memory_space<vmem>> -> memref<128xi32, #tpu.memory_space<vmem>>
    %dma_start3A_6 = arith.constant 0 : i32
    %dma_start3A_7 = arith.constant 0 : i32
    %dma_start3A_8 = tpu.memref_slice %arg3[%dma_start3A_6, %dma_start3A_7] : memref<100000x128xf32, #tpu.memory_space<hbm>> -> memref<100000x128xf32, #tpu.memory_space<hbm>>
    tpu.enqueue_indirect_dma source(%dma_start3A_8 : memref<100000x128xf32, #tpu.memory_space<hbm>>) target(%arg6 : memref<128x128xf32, #tpu.memory_space<vmem>>) offsets(%dma_start3A_5 : memref<128xi32, #tpu.memory_space<vmem>>) semaphore(%arg12 : memref<!tpu.dma_semaphore, #tpu.memory_space<semaphore_mem>>)
    %dma_start3A_9 = arith.constant 1 : i32
    %dma_start3A_10 = arith.constant 0 : i32
    %dma_start3A_11 = tpu.memref_slice %arg5[%dma_start3A_9, %dma_start3A_10] : memref<50x128xi32, #tpu.memory_space<vmem>> -> memref<1x128xi32, #tpu.memory_space<vmem>>
    %dma_start3A_12 = tpu.memref_squeeze %dma_start3A_11 : memref<1x128xi32, #tpu.memory_space<vmem>> -> memref<128xi32, #tpu.memory_space<vmem>>
    %dma_start3A_13 = arith.constant 0 : i32
    %dma_start3A_14 = arith.constant 0 : i32
    %dma_start3A_15 = tpu.memref_slice %arg3[%dma_start3A_13, %dma_start3A_14] : memref<100000x128xf32, #tpu.memory_space<hbm>> -> memref<100000x128xf32, #tpu.memory_space<hbm>>
    tpu.enqueue_indirect_dma source(%dma_start3A_15 : memref<100000x128xf32, #tpu.memory_space<hbm>>) target(%arg7 : memref<128x128xf32, #tpu.memory_space<vmem>>) offsets(%dma_start3A_12 : memref<128xi32, #tpu.memory_space<vmem>>) semaphore(%arg13 : memref<!tpu.dma_semaphore, #tpu.memory_space<semaphore_mem>>)
    %dma_start3A_16 = arith.constant 2 : i32
    %dma_start3A_17 = arith.constant 0 : i32
    %dma_start3A_18 = tpu.memref_slice %arg5[%dma_start3A_16, %dma_start3A_17] : memref<50x128xi32, #tpu.memory_space<vmem>> -> memref<1x128xi32, #tpu.memory_space<vmem>>
    %dma_start3A_19 = tpu.memref_squeeze %dma_start3A_18 : memref<1x128xi32, #tpu.memory_space<vmem>> -> memref<128xi32, #tpu.memory_space<vmem>>
    %dma_start3A_20 = arith.constant 0 : i32
    %dma_start3A_21 = arith.constant 0 : i32
    %dma_start3A_22 = tpu.memref_slice %arg3[%dma_start3A_20, %dma_start3A_21] : memref<100000x128xf32, #tpu.memory_space<hbm>> -> memref<100000x128xf32, #tpu.memory_space<hbm>>
    tpu.enqueue_indirect_dma source(%dma_start3A_22 : memref<100000x128xf32, #tpu.memory_space<hbm>>) target(%arg8 : memref<128x128xf32, #tpu.memory_space<vmem>>) offsets(%dma_start3A_19 : memref<128xi32, #tpu.memory_space<vmem>>) semaphore(%arg14 : memref<!tpu.dma_semaphore, #tpu.memory_space<semaphore_mem>>)
    %dma_start3A_23 = arith.constant 3 : i32
    %dma_start3A_24 = arith.constant 0 : i32
    %dma_start3A_25 = tpu.memref_slice %arg5[%dma_start3A_23, %dma_start3A_24] : memref<50x128xi32, #tpu.memory_space<vmem>> -> memref<1x128xi32, #tpu.memory_space<vmem>>
    %dma_start3A_26 = tpu.memref_squeeze %dma_start3A_25 : memref<1x128xi32, #tpu.memory_space<vmem>> -> memref<128xi32, #tpu.memory_space<vmem>>
    %dma_start3A_27 = arith.constant 0 : i32
    %dma_start3A_28 = arith.constant 0 : i32
    %dma_start3A_29 = tpu.memref_slice %arg3[%dma_start3A_27, %dma_start3A_28] : memref<100000x128xf32, #tpu.memory_space<hbm>> -> memref<100000x128xf32, #tpu.memory_space<hbm>>
    tpu.enqueue_indirect_dma source(%dma_start3A_29 : memref<100000x128xf32, #tpu.memory_space<hbm>>) target(%arg9 : memref<128x128xf32, #tpu.memory_space<vmem>>) offsets(%dma_start3A_26 : memref<128xi32, #tpu.memory_space<vmem>>) semaphore(%arg15 : memref<!tpu.dma_semaphore, #tpu.memory_space<semaphore_mem>>)
    %dma_start3A_30 = arith.constant 4 : i32
    %dma_start3A_31 = arith.constant 0 : i32
    %dma_start3A_32 = tpu.memref_slice %arg5[%dma_start3A_30, %dma_start3A_31] : memref<50x128xi32, #tpu.memory_space<vmem>> -> memref<1x128xi32, #tpu.memory_space<vmem>>
    %dma_start3A_33 = tpu.memref_squeeze %dma_start3A_32 : memref<1x128xi32, #tpu.memory_space<vmem>> -> memref<128xi32, #tpu.memory_space<vmem>>
    %dma_start3A_34 = arith.constant 0 : i32
    %dma_start3A_35 = arith.constant 0 : i32
    %dma_start3A_36 = tpu.memref_slice %arg3[%dma_start3A_34, %dma_start3A_35] : memref<100000x128xf32, #tpu.memory_space<hbm>> -> memref<100000x128xf32, #tpu.memory_space<hbm>>
    tpu.enqueue_indirect_dma source(%dma_start3A_36 : memref<100000x128xf32, #tpu.memory_space<hbm>>) target(%arg10 : memref<128x128xf32, #tpu.memory_space<vmem>>) offsets(%dma_start3A_33 : memref<128xi32, #tpu.memory_space<vmem>>) semaphore(%arg16 : memref<!tpu.dma_semaphore, #tpu.memory_space<semaphore_mem>>)
    %dma_wait3A = arith.constant 0 : i32
    %dma_wait3A_37 = arith.constant 0 : i32
    %dma_wait3A_38 = tpu.memref_slice %arg5[%dma_wait3A, %dma_wait3A_37] : memref<50x128xi32, #tpu.memory_space<vmem>> -> memref<1x128xi32, #tpu.memory_space<vmem>>
    %dma_wait3A_39 = tpu.memref_squeeze %dma_wait3A_38 : memref<1x128xi32, #tpu.memory_space<vmem>> -> memref<128xi32, #tpu.memory_space<vmem>>
    %dma_wait3A_40 = arith.constant 0 : i32
    %dma_wait3A_41 = arith.constant 0 : i32
    %dma_wait3A_42 = tpu.memref_slice %arg3[%dma_wait3A_40, %dma_wait3A_41] : memref<100000x128xf32, #tpu.memory_space<hbm>> -> memref<100000x128xf32, #tpu.memory_space<hbm>>
    tpu.wait_indirect_dma semaphore(%arg12 : memref<!tpu.dma_semaphore, #tpu.memory_space<semaphore_mem>>) src(%dma_wait3A_42 : memref<100000x128xf32, #tpu.memory_space<hbm>>) dst(%arg6 : memref<128x128xf32, #tpu.memory_space<vmem>>)
    %dma_start3A_43 = arith.constant 0 : i32
    %dma_start3A_44 = arith.constant 0 : i32
    %dma_start3A_45 = tpu.memref_slice %arg4[%dma_start3A_43, %mul3A_2, %dma_start3A_44] : memref<50x4096x128xf32, #tpu.memory_space<hbm>> -> memref<1x128x128xf32, #tpu.memory_space<hbm>>
    %dma_start3A_46 = tpu.memref_squeeze %dma_start3A_45 : memref<1x128x128xf32, #tpu.memory_space<hbm>> -> memref<128x128xf32, #tpu.memory_space<hbm>>
    %dma_start3A_47 = arith.constant 0 : i32
    %dma_start3A_48 = tpu.memref_slice %arg4[%dma_start3A_43, %mul3A_2, %dma_start3A_47] : memref<50x4096x128xf32, #tpu.memory_space<hbm>> -> memref<1x128x128xf32, #tpu.memory_space<hbm>>
    %dma_start3A_49 = tpu.memref_squeeze %dma_start3A_48 : memref<1x128x128xf32, #tpu.memory_space<hbm>> -> memref<128x128xf32, #tpu.memory_space<hbm>>
    tpu.enqueue_dma source(%arg6 : memref<128x128xf32, #tpu.memory_space<vmem>>) target(%dma_start3A_49 : memref<128x128xf32, #tpu.memory_space<hbm>>) target_semaphore(%arg18 : memref<!tpu.dma_semaphore, #tpu.memory_space<semaphore_mem>>)
    %dma_start3A_50 = arith.constant 5 : i32
    %dma_start3A_51 = arith.constant 0 : i32
    %dma_start3A_52 = tpu.memref_slice %arg5[%dma_start3A_50, %dma_start3A_51] : memref<50x128xi32, #tpu.memory_space<vmem>> -> memref<1x128xi32, #tpu.memory_space<vmem>>
    %dma_start3A_53 = tpu.memref_squeeze %dma_start3A_52 : memref<1x128xi32, #tpu.memory_space<vmem>> -> memref<128xi32, #tpu.memory_space<vmem>>
    %dma_start3A_54 = arith.constant 0 : i32
    %dma_start3A_55 = arith.constant 0 : i32
    %dma_start3A_56 = tpu.memref_slice %arg3[%dma_start3A_54, %dma_start3A_55] : memref<100000x128xf32, #tpu.memory_space<hbm>> -> memref<100000x128xf32, #tpu.memory_space<hbm>>
    tpu.enqueue_indirect_dma source(%dma_start3A_56 : memref<100000x128xf32, #tpu.memory_space<hbm>>) target(%arg11 : memref<128x128xf32, #tpu.memory_space<vmem>>) offsets(%dma_start3A_53 : memref<128xi32, #tpu.memory_space<vmem>>) semaphore(%arg17 : memref<!tpu.dma_semaphore, #tpu.memory_space<semaphore_mem>>)
    %scan3A = arith.constant 0 : i32
    %scan3A_57 = arith.constant 0 : i32
    %scan3A_58 = arith.constant 8 : i32
    %scan3A_59 = arith.addi %scan3A_57, %scan3A_58 : i32
    %scan3A_60 = arith.constant 1 : i32
    scf.for %scan3A_118 = %scan3A_57 to %scan3A_59 step %scan3A_60  : i32 {
      %mul3A_119 = arith.constant 6 : i32
      %mul3A_120 = arith.muli %mul3A_119, %scan3A_118 : i32
      %add3A_121 = arith.constant 0 : i32
      %add3A_122 = arith.addi %mul3A_120, %add3A_121 : i32
      %add3A_123 = arith.constant 1 : i32
      %add3A_124 = arith.addi %add3A_122, %add3A_123 : i32
      %dma_wait3A_125 = arith.constant 0 : i32
      %dma_wait3A_126 = tpu.memref_slice %arg5[%add3A_124, %dma_wait3A_125] : memref<50x128xi32, #tpu.memory_space<vmem>> -> memref<1x128xi32, #tpu.memory_space<vmem>>
      %dma_wait3A_127 = tpu.memref_squeeze %dma_wait3A_126 : memref<1x128xi32, #tpu.memory_space<vmem>> -> memref<128xi32, #tpu.memory_space<vmem>>
      %dma_wait3A_128 = arith.constant 0 : i32
      %dma_wait3A_129 = arith.constant 0 : i32
      %dma_wait3A_130 = tpu.memref_slice %arg3[%dma_wait3A_128, %dma_wait3A_129] : memref<100000x128xf32, #tpu.memory_space<hbm>> -> memref<100000x128xf32, #tpu.memory_space<hbm>>
      tpu.wait_indirect_dma semaphore(%arg13 : memref<!tpu.dma_semaphore, #tpu.memory_space<semaphore_mem>>) src(%dma_wait3A_130 : memref<100000x128xf32, #tpu.memory_space<hbm>>) dst(%arg7 : memref<128x128xf32, #tpu.memory_space<vmem>>)
      %dma_start3A_131 = arith.constant 0 : i32
      %dma_start3A_132 = tpu.memref_slice %arg4[%add3A_124, %mul3A_2, %dma_start3A_131] : memref<50x4096x128xf32, #tpu.memory_space<hbm>> -> memref<1x128x128xf32, #tpu.memory_space<hbm>>
      %dma_start3A_133 = tpu.memref_squeeze %dma_start3A_132 : memref<1x128x128xf32, #tpu.memory_space<hbm>> -> memref<128x128xf32, #tpu.memory_space<hbm>>
      %dma_start3A_134 = arith.constant 0 : i32
      %dma_start3A_135 = tpu.memref_slice %arg4[%add3A_124, %mul3A_2, %dma_start3A_134] : memref<50x4096x128xf32, #tpu.memory_space<hbm>> -> memref<1x128x128xf32, #tpu.memory_space<hbm>>
      %dma_start3A_136 = tpu.memref_squeeze %dma_start3A_135 : memref<1x128x128xf32, #tpu.memory_space<hbm>> -> memref<128x128xf32, #tpu.memory_space<hbm>>
      tpu.enqueue_dma source(%arg7 : memref<128x128xf32, #tpu.memory_space<vmem>>) target(%dma_start3A_136 : memref<128x128xf32, #tpu.memory_space<hbm>>) target_semaphore(%arg19 : memref<!tpu.dma_semaphore, #tpu.memory_space<semaphore_mem>>)
      %add3A_137 = arith.constant 6 : i32
      %add3A_138 = arith.addi %add3A_124, %add3A_137 : i32
      %sub3A = arith.constant 1 : i32
      %sub3A_139 = arith.subi %add3A_138, %sub3A : i32
      %lt3A = arith.constant 50 : i32
      %lt3A_140 = arith.cmpi slt, %sub3A_139, %lt3A : i32
      %convert_element_type3A = arith.extui %lt3A_140 : i1 to i32
      %cond3A = arith.constant 0 : i32
      %cond3A_141 = arith.cmpi ne, %convert_element_type3A, %cond3A : i32
      scf.if %cond3A_141 {
        %sub3A_277 = arith.constant 1 : i32
        %sub3A_278 = arith.subi %add3A_124, %sub3A_277 : i32
        %dma_wait3A_279 = arith.constant 0 : i32
        %dma_wait3A_280 = tpu.memref_slice %arg4[%sub3A_278, %mul3A_2, %dma_wait3A_279] : memref<50x4096x128xf32, #tpu.memory_space<hbm>> -> memref<1x128x128xf32, #tpu.memory_space<hbm>>
        %dma_wait3A_281 = tpu.memref_squeeze %dma_wait3A_280 : memref<1x128x128xf32, #tpu.memory_space<hbm>> -> memref<128x128xf32, #tpu.memory_space<hbm>>
        %dma_wait3A_282 = arith.constant 0 : i32
        %dma_wait3A_283 = tpu.memref_slice %arg4[%sub3A_278, %mul3A_2, %dma_wait3A_282] : memref<50x4096x128xf32, #tpu.memory_space<hbm>> -> memref<1x128x128xf32, #tpu.memory_space<hbm>>
        %dma_wait3A_284 = tpu.memref_squeeze %dma_wait3A_283 : memref<1x128x128xf32, #tpu.memory_space<hbm>> -> memref<128x128xf32, #tpu.memory_space<hbm>>
        tpu.wait_dma2 semaphore(%arg18 : memref<!tpu.dma_semaphore, #tpu.memory_space<semaphore_mem>>) src(%arg6 : memref<128x128xf32, #tpu.memory_space<vmem>>) dst(%dma_wait3A_284 : memref<128x128xf32, #tpu.memory_space<hbm>>)
        %add3A_285 = arith.constant 6 : i32
        %add3A_286 = arith.addi %add3A_124, %add3A_285 : i32
        %sub3A_287 = arith.constant 1 : i32
        %sub3A_288 = arith.subi %add3A_286, %sub3A_287 : i32
        %dma_start3A_289 = arith.constant 0 : i32
        %dma_start3A_290 = tpu.memref_slice %arg5[%sub3A_288, %dma_start3A_289] : memref<50x128xi32, #tpu.memory_space<vmem>> -> memref<1x128xi32, #tpu.memory_space<vmem>>
        %dma_start3A_291 = tpu.memref_squeeze %dma_start3A_290 : memref<1x128xi32, #tpu.memory_space<vmem>> -> memref<128xi32, #tpu.memory_space<vmem>>
        %dma_start3A_292 = arith.constant 0 : i32
        %dma_start3A_293 = arith.constant 0 : i32
        %dma_start3A_294 = tpu.memref_slice %arg3[%dma_start3A_292, %dma_start3A_293] : memref<100000x128xf32, #tpu.memory_space<hbm>> -> memref<100000x128xf32, #tpu.memory_space<hbm>>
        tpu.enqueue_indirect_dma source(%dma_start3A_294 : memref<100000x128xf32, #tpu.memory_space<hbm>>) target(%arg6 : memref<128x128xf32, #tpu.memory_space<vmem>>) offsets(%dma_start3A_291 : memref<128xi32, #tpu.memory_space<vmem>>) semaphore(%arg12 : memref<!tpu.dma_semaphore, #tpu.memory_space<semaphore_mem>>)
      } else {
      }
      %mul3A_142 = arith.constant 6 : i32
      %mul3A_143 = arith.muli %mul3A_142, %scan3A_118 : i32
      %add3A_144 = arith.constant 1 : i32
      %add3A_145 = arith.addi %mul3A_143, %add3A_144 : i32
      %add3A_146 = arith.constant 1 : i32
      %add3A_147 = arith.addi %add3A_145, %add3A_146 : i32
      %dma_wait3A_148 = arith.constant 0 : i32
      %dma_wait3A_149 = tpu.memref_slice %arg5[%add3A_147, %dma_wait3A_148] : memref<50x128xi32, #tpu.memory_space<vmem>> -> memref<1x128xi32, #tpu.memory_space<vmem>>
      %dma_wait3A_150 = tpu.memref_squeeze %dma_wait3A_149 : memref<1x128xi32, #tpu.memory_space<vmem>> -> memref<128xi32, #tpu.memory_space<vmem>>
      %dma_wait3A_151 = arith.constant 0 : i32
      %dma_wait3A_152 = arith.constant 0 : i32
      %dma_wait3A_153 = tpu.memref_slice %arg3[%dma_wait3A_151, %dma_wait3A_152] : memref<100000x128xf32, #tpu.memory_space<hbm>> -> memref<100000x128xf32, #tpu.memory_space<hbm>>
      tpu.wait_indirect_dma semaphore(%arg14 : memref<!tpu.dma_semaphore, #tpu.memory_space<semaphore_mem>>) src(%dma_wait3A_153 : memref<100000x128xf32, #tpu.memory_space<hbm>>) dst(%arg8 : memref<128x128xf32, #tpu.memory_space<vmem>>)
      %dma_start3A_154 = arith.constant 0 : i32
      %dma_start3A_155 = tpu.memref_slice %arg4[%add3A_147, %mul3A_2, %dma_start3A_154] : memref<50x4096x128xf32, #tpu.memory_space<hbm>> -> memref<1x128x128xf32, #tpu.memory_space<hbm>>
      %dma_start3A_156 = tpu.memref_squeeze %dma_start3A_155 : memref<1x128x128xf32, #tpu.memory_space<hbm>> -> memref<128x128xf32, #tpu.memory_space<hbm>>
      %dma_start3A_157 = arith.constant 0 : i32
      %dma_start3A_158 = tpu.memref_slice %arg4[%add3A_147, %mul3A_2, %dma_start3A_157] : memref<50x4096x128xf32, #tpu.memory_space<hbm>> -> memref<1x128x128xf32, #tpu.memory_space<hbm>>
      %dma_start3A_159 = tpu.memref_squeeze %dma_start3A_158 : memref<1x128x128xf32, #tpu.memory_space<hbm>> -> memref<128x128xf32, #tpu.memory_space<hbm>>
      tpu.enqueue_dma source(%arg8 : memref<128x128xf32, #tpu.memory_space<vmem>>) target(%dma_start3A_159 : memref<128x128xf32, #tpu.memory_space<hbm>>) target_semaphore(%arg20 : memref<!tpu.dma_semaphore, #tpu.memory_space<semaphore_mem>>)
      %add3A_160 = arith.constant 6 : i32
      %add3A_161 = arith.addi %add3A_147, %add3A_160 : i32
      %sub3A_162 = arith.constant 1 : i32
      %sub3A_163 = arith.subi %add3A_161, %sub3A_162 : i32
      %lt3A_164 = arith.constant 50 : i32
      %lt3A_165 = arith.cmpi slt, %sub3A_163, %lt3A_164 : i32
      %convert_element_type3A_166 = arith.extui %lt3A_165 : i1 to i32
      %cond3A_167 = arith.constant 0 : i32
      %cond3A_168 = arith.cmpi ne, %convert_element_type3A_166, %cond3A_167 : i32
      scf.if %cond3A_168 {
        %sub3A_277 = arith.constant 1 : i32
        %sub3A_278 = arith.subi %add3A_147, %sub3A_277 : i32
        %dma_wait3A_279 = arith.constant 0 : i32
        %dma_wait3A_280 = tpu.memref_slice %arg4[%sub3A_278, %mul3A_2, %dma_wait3A_279] : memref<50x4096x128xf32, #tpu.memory_space<hbm>> -> memref<1x128x128xf32, #tpu.memory_space<hbm>>
        %dma_wait3A_281 = tpu.memref_squeeze %dma_wait3A_280 : memref<1x128x128xf32, #tpu.memory_space<hbm>> -> memref<128x128xf32, #tpu.memory_space<hbm>>
        %dma_wait3A_282 = arith.constant 0 : i32
        %dma_wait3A_283 = tpu.memref_slice %arg4[%sub3A_278, %mul3A_2, %dma_wait3A_282] : memref<50x4096x128xf32, #tpu.memory_space<hbm>> -> memref<1x128x128xf32, #tpu.memory_space<hbm>>
        %dma_wait3A_284 = tpu.memref_squeeze %dma_wait3A_283 : memref<1x128x128xf32, #tpu.memory_space<hbm>> -> memref<128x128xf32, #tpu.memory_space<hbm>>
        tpu.wait_dma2 semaphore(%arg19 : memref<!tpu.dma_semaphore, #tpu.memory_space<semaphore_mem>>) src(%arg7 : memref<128x128xf32, #tpu.memory_space<vmem>>) dst(%dma_wait3A_284 : memref<128x128xf32, #tpu.memory_space<hbm>>)
        %add3A_285 = arith.constant 6 : i32
        %add3A_286 = arith.addi %add3A_147, %add3A_285 : i32
        %sub3A_287 = arith.constant 1 : i32
        %sub3A_288 = arith.subi %add3A_286, %sub3A_287 : i32
        %dma_start3A_289 = arith.constant 0 : i32
        %dma_start3A_290 = tpu.memref_slice %arg5[%sub3A_288, %dma_start3A_289] : memref<50x128xi32, #tpu.memory_space<vmem>> -> memref<1x128xi32, #tpu.memory_space<vmem>>
        %dma_start3A_291 = tpu.memref_squeeze %dma_start3A_290 : memref<1x128xi32, #tpu.memory_space<vmem>> -> memref<128xi32, #tpu.memory_space<vmem>>
        %dma_start3A_292 = arith.constant 0 : i32
        %dma_start3A_293 = arith.constant 0 : i32
        %dma_start3A_294 = tpu.memref_slice %arg3[%dma_start3A_292, %dma_start3A_293] : memref<100000x128xf32, #tpu.memory_space<hbm>> -> memref<100000x128xf32, #tpu.memory_space<hbm>>
        tpu.enqueue_indirect_dma source(%dma_start3A_294 : memref<100000x128xf32, #tpu.memory_space<hbm>>) target(%arg7 : memref<128x128xf32, #tpu.memory_space<vmem>>) offsets(%dma_start3A_291 : memref<128xi32, #tpu.memory_space<vmem>>) semaphore(%arg13 : memref<!tpu.dma_semaphore, #tpu.memory_space<semaphore_mem>>)
      } else {
      }
      %mul3A_169 = arith.constant 6 : i32
      %mul3A_170 = arith.muli %mul3A_169, %scan3A_118 : i32
      %add3A_171 = arith.constant 2 : i32
      %add3A_172 = arith.addi %mul3A_170, %add3A_171 : i32
      %add3A_173 = arith.constant 1 : i32
      %add3A_174 = arith.addi %add3A_172, %add3A_173 : i32
      %dma_wait3A_175 = arith.constant 0 : i32
      %dma_wait3A_176 = tpu.memref_slice %arg5[%add3A_174, %dma_wait3A_175] : memref<50x128xi32, #tpu.memory_space<vmem>> -> memref<1x128xi32, #tpu.memory_space<vmem>>
      %dma_wait3A_177 = tpu.memref_squeeze %dma_wait3A_176 : memref<1x128xi32, #tpu.memory_space<vmem>> -> memref<128xi32, #tpu.memory_space<vmem>>
      %dma_wait3A_178 = arith.constant 0 : i32
      %dma_wait3A_179 = arith.constant 0 : i32
      %dma_wait3A_180 = tpu.memref_slice %arg3[%dma_wait3A_178, %dma_wait3A_179] : memref<100000x128xf32, #tpu.memory_space<hbm>> -> memref<100000x128xf32, #tpu.memory_space<hbm>>
      tpu.wait_indirect_dma semaphore(%arg15 : memref<!tpu.dma_semaphore, #tpu.memory_space<semaphore_mem>>) src(%dma_wait3A_180 : memref<100000x128xf32, #tpu.memory_space<hbm>>) dst(%arg9 : memref<128x128xf32, #tpu.memory_space<vmem>>)
      %dma_start3A_181 = arith.constant 0 : i32
      %dma_start3A_182 = tpu.memref_slice %arg4[%add3A_174, %mul3A_2, %dma_start3A_181] : memref<50x4096x128xf32, #tpu.memory_space<hbm>> -> memref<1x128x128xf32, #tpu.memory_space<hbm>>
      %dma_start3A_183 = tpu.memref_squeeze %dma_start3A_182 : memref<1x128x128xf32, #tpu.memory_space<hbm>> -> memref<128x128xf32, #tpu.memory_space<hbm>>
      %dma_start3A_184 = arith.constant 0 : i32
      %dma_start3A_185 = tpu.memref_slice %arg4[%add3A_174, %mul3A_2, %dma_start3A_184] : memref<50x4096x128xf32, #tpu.memory_space<hbm>> -> memref<1x128x128xf32, #tpu.memory_space<hbm>>
      %dma_start3A_186 = tpu.memref_squeeze %dma_start3A_185 : memref<1x128x128xf32, #tpu.memory_space<hbm>> -> memref<128x128xf32, #tpu.memory_space<hbm>>
      tpu.enqueue_dma source(%arg9 : memref<128x128xf32, #tpu.memory_space<vmem>>) target(%dma_start3A_186 : memref<128x128xf32, #tpu.memory_space<hbm>>) target_semaphore(%arg21 : memref<!tpu.dma_semaphore, #tpu.memory_space<semaphore_mem>>)
      %add3A_187 = arith.constant 6 : i32
      %add3A_188 = arith.addi %add3A_174, %add3A_187 : i32
      %sub3A_189 = arith.constant 1 : i32
      %sub3A_190 = arith.subi %add3A_188, %sub3A_189 : i32
      %lt3A_191 = arith.constant 50 : i32
      %lt3A_192 = arith.cmpi slt, %sub3A_190, %lt3A_191 : i32
      %convert_element_type3A_193 = arith.extui %lt3A_192 : i1 to i32
      %cond3A_194 = arith.constant 0 : i32
      %cond3A_195 = arith.cmpi ne, %convert_element_type3A_193, %cond3A_194 : i32
      scf.if %cond3A_195 {
        %sub3A_277 = arith.constant 1 : i32
        %sub3A_278 = arith.subi %add3A_174, %sub3A_277 : i32
        %dma_wait3A_279 = arith.constant 0 : i32
        %dma_wait3A_280 = tpu.memref_slice %arg4[%sub3A_278, %mul3A_2, %dma_wait3A_279] : memref<50x4096x128xf32, #tpu.memory_space<hbm>> -> memref<1x128x128xf32, #tpu.memory_space<hbm>>
        %dma_wait3A_281 = tpu.memref_squeeze %dma_wait3A_280 : memref<1x128x128xf32, #tpu.memory_space<hbm>> -> memref<128x128xf32, #tpu.memory_space<hbm>>
        %dma_wait3A_282 = arith.constant 0 : i32
        %dma_wait3A_283 = tpu.memref_slice %arg4[%sub3A_278, %mul3A_2, %dma_wait3A_282] : memref<50x4096x128xf32, #tpu.memory_space<hbm>> -> memref<1x128x128xf32, #tpu.memory_space<hbm>>
        %dma_wait3A_284 = tpu.memref_squeeze %dma_wait3A_283 : memref<1x128x128xf32, #tpu.memory_space<hbm>> -> memref<128x128xf32, #tpu.memory_space<hbm>>
        tpu.wait_dma2 semaphore(%arg20 : memref<!tpu.dma_semaphore, #tpu.memory_space<semaphore_mem>>) src(%arg8 : memref<128x128xf32, #tpu.memory_space<vmem>>) dst(%dma_wait3A_284 : memref<128x128xf32, #tpu.memory_space<hbm>>)
        %add3A_285 = arith.constant 6 : i32
        %add3A_286 = arith.addi %add3A_174, %add3A_285 : i32
        %sub3A_287 = arith.constant 1 : i32
        %sub3A_288 = arith.subi %add3A_286, %sub3A_287 : i32
        %dma_start3A_289 = arith.constant 0 : i32
        %dma_start3A_290 = tpu.memref_slice %arg5[%sub3A_288, %dma_start3A_289] : memref<50x128xi32, #tpu.memory_space<vmem>> -> memref<1x128xi32, #tpu.memory_space<vmem>>
        %dma_start3A_291 = tpu.memref_squeeze %dma_start3A_290 : memref<1x128xi32, #tpu.memory_space<vmem>> -> memref<128xi32, #tpu.memory_space<vmem>>
        %dma_start3A_292 = arith.constant 0 : i32
        %dma_start3A_293 = arith.constant 0 : i32
        %dma_start3A_294 = tpu.memref_slice %arg3[%dma_start3A_292, %dma_start3A_293] : memref<100000x128xf32, #tpu.memory_space<hbm>> -> memref<100000x128xf32, #tpu.memory_space<hbm>>
        tpu.enqueue_indirect_dma source(%dma_start3A_294 : memref<100000x128xf32, #tpu.memory_space<hbm>>) target(%arg8 : memref<128x128xf32, #tpu.memory_space<vmem>>) offsets(%dma_start3A_291 : memref<128xi32, #tpu.memory_space<vmem>>) semaphore(%arg14 : memref<!tpu.dma_semaphore, #tpu.memory_space<semaphore_mem>>)
      } else {
      }
      %mul3A_196 = arith.constant 6 : i32
      %mul3A_197 = arith.muli %mul3A_196, %scan3A_118 : i32
      %add3A_198 = arith.constant 3 : i32
      %add3A_199 = arith.addi %mul3A_197, %add3A_198 : i32
      %add3A_200 = arith.constant 1 : i32
      %add3A_201 = arith.addi %add3A_199, %add3A_200 : i32
      %dma_wait3A_202 = arith.constant 0 : i32
      %dma_wait3A_203 = tpu.memref_slice %arg5[%add3A_201, %dma_wait3A_202] : memref<50x128xi32, #tpu.memory_space<vmem>> -> memref<1x128xi32, #tpu.memory_space<vmem>>
      %dma_wait3A_204 = tpu.memref_squeeze %dma_wait3A_203 : memref<1x128xi32, #tpu.memory_space<vmem>> -> memref<128xi32, #tpu.memory_space<vmem>>
      %dma_wait3A_205 = arith.constant 0 : i32
      %dma_wait3A_206 = arith.constant 0 : i32
      %dma_wait3A_207 = tpu.memref_slice %arg3[%dma_wait3A_205, %dma_wait3A_206] : memref<100000x128xf32, #tpu.memory_space<hbm>> -> memref<100000x128xf32, #tpu.memory_space<hbm>>
      tpu.wait_indirect_dma semaphore(%arg16 : memref<!tpu.dma_semaphore, #tpu.memory_space<semaphore_mem>>) src(%dma_wait3A_207 : memref<100000x128xf32, #tpu.memory_space<hbm>>) dst(%arg10 : memref<128x128xf32, #tpu.memory_space<vmem>>)
      %dma_start3A_208 = arith.constant 0 : i32
      %dma_start3A_209 = tpu.memref_slice %arg4[%add3A_201, %mul3A_2, %dma_start3A_208] : memref<50x4096x128xf32, #tpu.memory_space<hbm>> -> memref<1x128x128xf32, #tpu.memory_space<hbm>>
      %dma_start3A_210 = tpu.memref_squeeze %dma_start3A_209 : memref<1x128x128xf32, #tpu.memory_space<hbm>> -> memref<128x128xf32, #tpu.memory_space<hbm>>
      %dma_start3A_211 = arith.constant 0 : i32
      %dma_start3A_212 = tpu.memref_slice %arg4[%add3A_201, %mul3A_2, %dma_start3A_211] : memref<50x4096x128xf32, #tpu.memory_space<hbm>> -> memref<1x128x128xf32, #tpu.memory_space<hbm>>
      %dma_start3A_213 = tpu.memref_squeeze %dma_start3A_212 : memref<1x128x128xf32, #tpu.memory_space<hbm>> -> memref<128x128xf32, #tpu.memory_space<hbm>>
      tpu.enqueue_dma source(%arg10 : memref<128x128xf32, #tpu.memory_space<vmem>>) target(%dma_start3A_213 : memref<128x128xf32, #tpu.memory_space<hbm>>) target_semaphore(%arg22 : memref<!tpu.dma_semaphore, #tpu.memory_space<semaphore_mem>>)
      %add3A_214 = arith.constant 6 : i32
      %add3A_215 = arith.addi %add3A_201, %add3A_214 : i32
      %sub3A_216 = arith.constant 1 : i32
      %sub3A_217 = arith.subi %add3A_215, %sub3A_216 : i32
      %lt3A_218 = arith.constant 50 : i32
      %lt3A_219 = arith.cmpi slt, %sub3A_217, %lt3A_218 : i32
      %convert_element_type3A_220 = arith.extui %lt3A_219 : i1 to i32
      %cond3A_221 = arith.constant 0 : i32
      %cond3A_222 = arith.cmpi ne, %convert_element_type3A_220, %cond3A_221 : i32
      scf.if %cond3A_222 {
        %sub3A_277 = arith.constant 1 : i32
        %sub3A_278 = arith.subi %add3A_201, %sub3A_277 : i32
        %dma_wait3A_279 = arith.constant 0 : i32
        %dma_wait3A_280 = tpu.memref_slice %arg4[%sub3A_278, %mul3A_2, %dma_wait3A_279] : memref<50x4096x128xf32, #tpu.memory_space<hbm>> -> memref<1x128x128xf32, #tpu.memory_space<hbm>>
        %dma_wait3A_281 = tpu.memref_squeeze %dma_wait3A_280 : memref<1x128x128xf32, #tpu.memory_space<hbm>> -> memref<128x128xf32, #tpu.memory_space<hbm>>
        %dma_wait3A_282 = arith.constant 0 : i32
        %dma_wait3A_283 = tpu.memref_slice %arg4[%sub3A_278, %mul3A_2, %dma_wait3A_282] : memref<50x4096x128xf32, #tpu.memory_space<hbm>> -> memref<1x128x128xf32, #tpu.memory_space<hbm>>
        %dma_wait3A_284 = tpu.memref_squeeze %dma_wait3A_283 : memref<1x128x128xf32, #tpu.memory_space<hbm>> -> memref<128x128xf32, #tpu.memory_space<hbm>>
        tpu.wait_dma2 semaphore(%arg21 : memref<!tpu.dma_semaphore, #tpu.memory_space<semaphore_mem>>) src(%arg9 : memref<128x128xf32, #tpu.memory_space<vmem>>) dst(%dma_wait3A_284 : memref<128x128xf32, #tpu.memory_space<hbm>>)
        %add3A_285 = arith.constant 6 : i32
        %add3A_286 = arith.addi %add3A_201, %add3A_285 : i32
        %sub3A_287 = arith.constant 1 : i32
        %sub3A_288 = arith.subi %add3A_286, %sub3A_287 : i32
        %dma_start3A_289 = arith.constant 0 : i32
        %dma_start3A_290 = tpu.memref_slice %arg5[%sub3A_288, %dma_start3A_289] : memref<50x128xi32, #tpu.memory_space<vmem>> -> memref<1x128xi32, #tpu.memory_space<vmem>>
        %dma_start3A_291 = tpu.memref_squeeze %dma_start3A_290 : memref<1x128xi32, #tpu.memory_space<vmem>> -> memref<128xi32, #tpu.memory_space<vmem>>
        %dma_start3A_292 = arith.constant 0 : i32
        %dma_start3A_293 = arith.constant 0 : i32
        %dma_start3A_294 = tpu.memref_slice %arg3[%dma_start3A_292, %dma_start3A_293] : memref<100000x128xf32, #tpu.memory_space<hbm>> -> memref<100000x128xf32, #tpu.memory_space<hbm>>
        tpu.enqueue_indirect_dma source(%dma_start3A_294 : memref<100000x128xf32, #tpu.memory_space<hbm>>) target(%arg9 : memref<128x128xf32, #tpu.memory_space<vmem>>) offsets(%dma_start3A_291 : memref<128xi32, #tpu.memory_space<vmem>>) semaphore(%arg15 : memref<!tpu.dma_semaphore, #tpu.memory_space<semaphore_mem>>)
      } else {
      }
      %mul3A_223 = arith.constant 6 : i32
      %mul3A_224 = arith.muli %mul3A_223, %scan3A_118 : i32
      %add3A_225 = arith.constant 4 : i32
      %add3A_226 = arith.addi %mul3A_224, %add3A_225 : i32
      %add3A_227 = arith.constant 1 : i32
      %add3A_228 = arith.addi %add3A_226, %add3A_227 : i32
      %dma_wait3A_229 = arith.constant 0 : i32
      %dma_wait3A_230 = tpu.memref_slice %arg5[%add3A_228, %dma_wait3A_229] : memref<50x128xi32, #tpu.memory_space<vmem>> -> memref<1x128xi32, #tpu.memory_space<vmem>>
      %dma_wait3A_231 = tpu.memref_squeeze %dma_wait3A_230 : memref<1x128xi32, #tpu.memory_space<vmem>> -> memref<128xi32, #tpu.memory_space<vmem>>
      %dma_wait3A_232 = arith.constant 0 : i32
      %dma_wait3A_233 = arith.constant 0 : i32
      %dma_wait3A_234 = tpu.memref_slice %arg3[%dma_wait3A_232, %dma_wait3A_233] : memref<100000x128xf32, #tpu.memory_space<hbm>> -> memref<100000x128xf32, #tpu.memory_space<hbm>>
      tpu.wait_indirect_dma semaphore(%arg17 : memref<!tpu.dma_semaphore, #tpu.memory_space<semaphore_mem>>) src(%dma_wait3A_234 : memref<100000x128xf32, #tpu.memory_space<hbm>>) dst(%arg11 : memref<128x128xf32, #tpu.memory_space<vmem>>)
      %dma_start3A_235 = arith.constant 0 : i32
      %dma_start3A_236 = tpu.memref_slice %arg4[%add3A_228, %mul3A_2, %dma_start3A_235] : memref<50x4096x128xf32, #tpu.memory_space<hbm>> -> memref<1x128x128xf32, #tpu.memory_space<hbm>>
      %dma_start3A_237 = tpu.memref_squeeze %dma_start3A_236 : memref<1x128x128xf32, #tpu.memory_space<hbm>> -> memref<128x128xf32, #tpu.memory_space<hbm>>
      %dma_start3A_238 = arith.constant 0 : i32
      %dma_start3A_239 = tpu.memref_slice %arg4[%add3A_228, %mul3A_2, %dma_start3A_238] : memref<50x4096x128xf32, #tpu.memory_space<hbm>> -> memref<1x128x128xf32, #tpu.memory_space<hbm>>
      %dma_start3A_240 = tpu.memref_squeeze %dma_start3A_239 : memref<1x128x128xf32, #tpu.memory_space<hbm>> -> memref<128x128xf32, #tpu.memory_space<hbm>>
      tpu.enqueue_dma source(%arg11 : memref<128x128xf32, #tpu.memory_space<vmem>>) target(%dma_start3A_240 : memref<128x128xf32, #tpu.memory_space<hbm>>) target_semaphore(%arg23 : memref<!tpu.dma_semaphore, #tpu.memory_space<semaphore_mem>>)
      %add3A_241 = arith.constant 6 : i32
      %add3A_242 = arith.addi %add3A_228, %add3A_241 : i32
      %sub3A_243 = arith.constant 1 : i32
      %sub3A_244 = arith.subi %add3A_242, %sub3A_243 : i32
      %lt3A_245 = arith.constant 50 : i32
      %lt3A_246 = arith.cmpi slt, %sub3A_244, %lt3A_245 : i32
      %convert_element_type3A_247 = arith.extui %lt3A_246 : i1 to i32
      %cond3A_248 = arith.constant 0 : i32
      %cond3A_249 = arith.cmpi ne, %convert_element_type3A_247, %cond3A_248 : i32
      scf.if %cond3A_249 {
        %sub3A_277 = arith.constant 1 : i32
        %sub3A_278 = arith.subi %add3A_228, %sub3A_277 : i32
        %dma_wait3A_279 = arith.constant 0 : i32
        %dma_wait3A_280 = tpu.memref_slice %arg4[%sub3A_278, %mul3A_2, %dma_wait3A_279] : memref<50x4096x128xf32, #tpu.memory_space<hbm>> -> memref<1x128x128xf32, #tpu.memory_space<hbm>>
        %dma_wait3A_281 = tpu.memref_squeeze %dma_wait3A_280 : memref<1x128x128xf32, #tpu.memory_space<hbm>> -> memref<128x128xf32, #tpu.memory_space<hbm>>
        %dma_wait3A_282 = arith.constant 0 : i32
        %dma_wait3A_283 = tpu.memref_slice %arg4[%sub3A_278, %mul3A_2, %dma_wait3A_282] : memref<50x4096x128xf32, #tpu.memory_space<hbm>> -> memref<1x128x128xf32, #tpu.memory_space<hbm>>
        %dma_wait3A_284 = tpu.memref_squeeze %dma_wait3A_283 : memref<1x128x128xf32, #tpu.memory_space<hbm>> -> memref<128x128xf32, #tpu.memory_space<hbm>>
        tpu.wait_dma2 semaphore(%arg22 : memref<!tpu.dma_semaphore, #tpu.memory_space<semaphore_mem>>) src(%arg10 : memref<128x128xf32, #tpu.memory_space<vmem>>) dst(%dma_wait3A_284 : memref<128x128xf32, #tpu.memory_space<hbm>>)
        %add3A_285 = arith.constant 6 : i32
        %add3A_286 = arith.addi %add3A_228, %add3A_285 : i32
        %sub3A_287 = arith.constant 1 : i32
        %sub3A_288 = arith.subi %add3A_286, %sub3A_287 : i32
        %dma_start3A_289 = arith.constant 0 : i32
        %dma_start3A_290 = tpu.memref_slice %arg5[%sub3A_288, %dma_start3A_289] : memref<50x128xi32, #tpu.memory_space<vmem>> -> memref<1x128xi32, #tpu.memory_space<vmem>>
        %dma_start3A_291 = tpu.memref_squeeze %dma_start3A_290 : memref<1x128xi32, #tpu.memory_space<vmem>> -> memref<128xi32, #tpu.memory_space<vmem>>
        %dma_start3A_292 = arith.constant 0 : i32
        %dma_start3A_293 = arith.constant 0 : i32
        %dma_start3A_294 = tpu.memref_slice %arg3[%dma_start3A_292, %dma_start3A_293] : memref<100000x128xf32, #tpu.memory_space<hbm>> -> memref<100000x128xf32, #tpu.memory_space<hbm>>
        tpu.enqueue_indirect_dma source(%dma_start3A_294 : memref<100000x128xf32, #tpu.memory_space<hbm>>) target(%arg10 : memref<128x128xf32, #tpu.memory_space<vmem>>) offsets(%dma_start3A_291 : memref<128xi32, #tpu.memory_space<vmem>>) semaphore(%arg16 : memref<!tpu.dma_semaphore, #tpu.memory_space<semaphore_mem>>)
      } else {
      }
      %mul3A_250 = arith.constant 6 : i32
      %mul3A_251 = arith.muli %mul3A_250, %scan3A_118 : i32
      %add3A_252 = arith.constant 5 : i32
      %add3A_253 = arith.addi %mul3A_251, %add3A_252 : i32
      %add3A_254 = arith.constant 1 : i32
      %add3A_255 = arith.addi %add3A_253, %add3A_254 : i32
      %dma_wait3A_256 = arith.constant 0 : i32
      %dma_wait3A_257 = tpu.memref_slice %arg5[%add3A_255, %dma_wait3A_256] : memref<50x128xi32, #tpu.memory_space<vmem>> -> memref<1x128xi32, #tpu.memory_space<vmem>>
      %dma_wait3A_258 = tpu.memref_squeeze %dma_wait3A_257 : memref<1x128xi32, #tpu.memory_space<vmem>> -> memref<128xi32, #tpu.memory_space<vmem>>
      %dma_wait3A_259 = arith.constant 0 : i32
      %dma_wait3A_260 = arith.constant 0 : i32
      %dma_wait3A_261 = tpu.memref_slice %arg3[%dma_wait3A_259, %dma_wait3A_260] : memref<100000x128xf32, #tpu.memory_space<hbm>> -> memref<100000x128xf32, #tpu.memory_space<hbm>>
      tpu.wait_indirect_dma semaphore(%arg12 : memref<!tpu.dma_semaphore, #tpu.memory_space<semaphore_mem>>) src(%dma_wait3A_261 : memref<100000x128xf32, #tpu.memory_space<hbm>>) dst(%arg6 : memref<128x128xf32, #tpu.memory_space<vmem>>)
      %dma_start3A_262 = arith.constant 0 : i32
      %dma_start3A_263 = tpu.memref_slice %arg4[%add3A_255, %mul3A_2, %dma_start3A_262] : memref<50x4096x128xf32, #tpu.memory_space<hbm>> -> memref<1x128x128xf32, #tpu.memory_space<hbm>>
      %dma_start3A_264 = tpu.memref_squeeze %dma_start3A_263 : memref<1x128x128xf32, #tpu.memory_space<hbm>> -> memref<128x128xf32, #tpu.memory_space<hbm>>
      %dma_start3A_265 = arith.constant 0 : i32
      %dma_start3A_266 = tpu.memref_slice %arg4[%add3A_255, %mul3A_2, %dma_start3A_265] : memref<50x4096x128xf32, #tpu.memory_space<hbm>> -> memref<1x128x128xf32, #tpu.memory_space<hbm>>
      %dma_start3A_267 = tpu.memref_squeeze %dma_start3A_266 : memref<1x128x128xf32, #tpu.memory_space<hbm>> -> memref<128x128xf32, #tpu.memory_space<hbm>>
      tpu.enqueue_dma source(%arg6 : memref<128x128xf32, #tpu.memory_space<vmem>>) target(%dma_start3A_267 : memref<128x128xf32, #tpu.memory_space<hbm>>) target_semaphore(%arg18 : memref<!tpu.dma_semaphore, #tpu.memory_space<semaphore_mem>>)
      %add3A_268 = arith.constant 6 : i32
      %add3A_269 = arith.addi %add3A_255, %add3A_268 : i32
      %sub3A_270 = arith.constant 1 : i32
      %sub3A_271 = arith.subi %add3A_269, %sub3A_270 : i32
      %lt3A_272 = arith.constant 50 : i32
      %lt3A_273 = arith.cmpi slt, %sub3A_271, %lt3A_272 : i32
      %convert_element_type3A_274 = arith.extui %lt3A_273 : i1 to i32
      %cond3A_275 = arith.constant 0 : i32
      %cond3A_276 = arith.cmpi ne, %convert_element_type3A_274, %cond3A_275 : i32
      scf.if %cond3A_276 {
        %sub3A_277 = arith.constant 1 : i32
        %sub3A_278 = arith.subi %add3A_255, %sub3A_277 : i32
        %dma_wait3A_279 = arith.constant 0 : i32
        %dma_wait3A_280 = tpu.memref_slice %arg4[%sub3A_278, %mul3A_2, %dma_wait3A_279] : memref<50x4096x128xf32, #tpu.memory_space<hbm>> -> memref<1x128x128xf32, #tpu.memory_space<hbm>>
        %dma_wait3A_281 = tpu.memref_squeeze %dma_wait3A_280 : memref<1x128x128xf32, #tpu.memory_space<hbm>> -> memref<128x128xf32, #tpu.memory_space<hbm>>
        %dma_wait3A_282 = arith.constant 0 : i32
        %dma_wait3A_283 = tpu.memref_slice %arg4[%sub3A_278, %mul3A_2, %dma_wait3A_282] : memref<50x4096x128xf32, #tpu.memory_space<hbm>> -> memref<1x128x128xf32, #tpu.memory_space<hbm>>
        %dma_wait3A_284 = tpu.memref_squeeze %dma_wait3A_283 : memref<1x128x128xf32, #tpu.memory_space<hbm>> -> memref<128x128xf32, #tpu.memory_space<hbm>>
        tpu.wait_dma2 semaphore(%arg23 : memref<!tpu.dma_semaphore, #tpu.memory_space<semaphore_mem>>) src(%arg11 : memref<128x128xf32, #tpu.memory_space<vmem>>) dst(%dma_wait3A_284 : memref<128x128xf32, #tpu.memory_space<hbm>>)
        %add3A_285 = arith.constant 6 : i32
        %add3A_286 = arith.addi %add3A_255, %add3A_285 : i32
        %sub3A_287 = arith.constant 1 : i32
        %sub3A_288 = arith.subi %add3A_286, %sub3A_287 : i32
        %dma_start3A_289 = arith.constant 0 : i32
        %dma_start3A_290 = tpu.memref_slice %arg5[%sub3A_288, %dma_start3A_289] : memref<50x128xi32, #tpu.memory_space<vmem>> -> memref<1x128xi32, #tpu.memory_space<vmem>>
        %dma_start3A_291 = tpu.memref_squeeze %dma_start3A_290 : memref<1x128xi32, #tpu.memory_space<vmem>> -> memref<128xi32, #tpu.memory_space<vmem>>
        %dma_start3A_292 = arith.constant 0 : i32
        %dma_start3A_293 = arith.constant 0 : i32
        %dma_start3A_294 = tpu.memref_slice %arg3[%dma_start3A_292, %dma_start3A_293] : memref<100000x128xf32, #tpu.memory_space<hbm>> -> memref<100000x128xf32, #tpu.memory_space<hbm>>
        tpu.enqueue_indirect_dma source(%dma_start3A_294 : memref<100000x128xf32, #tpu.memory_space<hbm>>) target(%arg11 : memref<128x128xf32, #tpu.memory_space<vmem>>) offsets(%dma_start3A_291 : memref<128xi32, #tpu.memory_space<vmem>>) semaphore(%arg17 : memref<!tpu.dma_semaphore, #tpu.memory_space<semaphore_mem>>)
      } else {
      }
    }
    %scan3A_61 = arith.constant 8 : i32
    %dma_wait3A_62 = arith.constant 49 : i32
    %dma_wait3A_63 = arith.constant 0 : i32
    %dma_wait3A_64 = tpu.memref_slice %arg5[%dma_wait3A_62, %dma_wait3A_63] : memref<50x128xi32, #tpu.memory_space<vmem>> -> memref<1x128xi32, #tpu.memory_space<vmem>>
    %dma_wait3A_65 = tpu.memref_squeeze %dma_wait3A_64 : memref<1x128xi32, #tpu.memory_space<vmem>> -> memref<128xi32, #tpu.memory_space<vmem>>
    %dma_wait3A_66 = arith.constant 0 : i32
    %dma_wait3A_67 = arith.constant 0 : i32
    %dma_wait3A_68 = tpu.memref_slice %arg3[%dma_wait3A_66, %dma_wait3A_67] : memref<100000x128xf32, #tpu.memory_space<hbm>> -> memref<100000x128xf32, #tpu.memory_space<hbm>>
    tpu.wait_indirect_dma semaphore(%arg13 : memref<!tpu.dma_semaphore, #tpu.memory_space<semaphore_mem>>) src(%dma_wait3A_68 : memref<100000x128xf32, #tpu.memory_space<hbm>>) dst(%arg7 : memref<128x128xf32, #tpu.memory_space<vmem>>)
    %dma_start3A_69 = arith.constant 49 : i32
    %dma_start3A_70 = arith.constant 0 : i32
    %dma_start3A_71 = tpu.memref_slice %arg4[%dma_start3A_69, %mul3A_2, %dma_start3A_70] : memref<50x4096x128xf32, #tpu.memory_space<hbm>> -> memref<1x128x128xf32, #tpu.memory_space<hbm>>
    %dma_start3A_72 = tpu.memref_squeeze %dma_start3A_71 : memref<1x128x128xf32, #tpu.memory_space<hbm>> -> memref<128x128xf32, #tpu.memory_space<hbm>>
    %dma_start3A_73 = arith.constant 0 : i32
    %dma_start3A_74 = tpu.memref_slice %arg4[%dma_start3A_69, %mul3A_2, %dma_start3A_73] : memref<50x4096x128xf32, #tpu.memory_space<hbm>> -> memref<1x128x128xf32, #tpu.memory_space<hbm>>
    %dma_start3A_75 = tpu.memref_squeeze %dma_start3A_74 : memref<1x128x128xf32, #tpu.memory_space<hbm>> -> memref<128x128xf32, #tpu.memory_space<hbm>>
    tpu.enqueue_dma source(%arg7 : memref<128x128xf32, #tpu.memory_space<vmem>>) target(%dma_start3A_75 : memref<128x128xf32, #tpu.memory_space<hbm>>) target_semaphore(%arg19 : memref<!tpu.dma_semaphore, #tpu.memory_space<semaphore_mem>>)
    %dma_wait3A_76 = arith.constant 44 : i32
    %dma_wait3A_77 = arith.constant 0 : i32
    %dma_wait3A_78 = tpu.memref_slice %arg4[%dma_wait3A_76, %mul3A_2, %dma_wait3A_77] : memref<50x4096x128xf32, #tpu.memory_space<hbm>> -> memref<1x128x128xf32, #tpu.memory_space<hbm>>
    %dma_wait3A_79 = tpu.memref_squeeze %dma_wait3A_78 : memref<1x128x128xf32, #tpu.memory_space<hbm>> -> memref<128x128xf32, #tpu.memory_space<hbm>>
    %dma_wait3A_80 = arith.constant 0 : i32
    %dma_wait3A_81 = tpu.memref_slice %arg4[%dma_wait3A_76, %mul3A_2, %dma_wait3A_80] : memref<50x4096x128xf32, #tpu.memory_space<hbm>> -> memref<1x128x128xf32, #tpu.memory_space<hbm>>
    %dma_wait3A_82 = tpu.memref_squeeze %dma_wait3A_81 : memref<1x128x128xf32, #tpu.memory_space<hbm>> -> memref<128x128xf32, #tpu.memory_space<hbm>>
    tpu.wait_dma2 semaphore(%arg20 : memref<!tpu.dma_semaphore, #tpu.memory_space<semaphore_mem>>) src(%arg8 : memref<128x128xf32, #tpu.memory_space<vmem>>) dst(%dma_wait3A_82 : memref<128x128xf32, #tpu.memory_space<hbm>>)
    %dma_wait3A_83 = arith.constant 45 : i32
    %dma_wait3A_84 = arith.constant 0 : i32
    %dma_wait3A_85 = tpu.memref_slice %arg4[%dma_wait3A_83, %mul3A_2, %dma_wait3A_84] : memref<50x4096x128xf32, #tpu.memory_space<hbm>> -> memref<1x128x128xf32, #tpu.memory_space<hbm>>
    %dma_wait3A_86 = tpu.memref_squeeze %dma_wait3A_85 : memref<1x128x128xf32, #tpu.memory_space<hbm>> -> memref<128x128xf32, #tpu.memory_space<hbm>>
    %dma_wait3A_87 = arith.constant 0 : i32
    %dma_wait3A_88 = tpu.memref_slice %arg4[%dma_wait3A_83, %mul3A_2, %dma_wait3A_87] : memref<50x4096x128xf32, #tpu.memory_space<hbm>> -> memref<1x128x128xf32, #tpu.memory_space<hbm>>
    %dma_wait3A_89 = tpu.memref_squeeze %dma_wait3A_88 : memref<1x128x128xf32, #tpu.memory_space<hbm>> -> memref<128x128xf32, #tpu.memory_space<hbm>>
    tpu.wait_dma2 semaphore(%arg21 : memref<!tpu.dma_semaphore, #tpu.memory_space<semaphore_mem>>) src(%arg9 : memref<128x128xf32, #tpu.memory_space<vmem>>) dst(%dma_wait3A_89 : memref<128x128xf32, #tpu.memory_space<hbm>>)
    %dma_wait3A_90 = arith.constant 46 : i32
    %dma_wait3A_91 = arith.constant 0 : i32
    %dma_wait3A_92 = tpu.memref_slice %arg4[%dma_wait3A_90, %mul3A_2, %dma_wait3A_91] : memref<50x4096x128xf32, #tpu.memory_space<hbm>> -> memref<1x128x128xf32, #tpu.memory_space<hbm>>
    %dma_wait3A_93 = tpu.memref_squeeze %dma_wait3A_92 : memref<1x128x128xf32, #tpu.memory_space<hbm>> -> memref<128x128xf32, #tpu.memory_space<hbm>>
    %dma_wait3A_94 = arith.constant 0 : i32
    %dma_wait3A_95 = tpu.memref_slice %arg4[%dma_wait3A_90, %mul3A_2, %dma_wait3A_94] : memref<50x4096x128xf32, #tpu.memory_space<hbm>> -> memref<1x128x128xf32, #tpu.memory_space<hbm>>
    %dma_wait3A_96 = tpu.memref_squeeze %dma_wait3A_95 : memref<1x128x128xf32, #tpu.memory_space<hbm>> -> memref<128x128xf32, #tpu.memory_space<hbm>>
    tpu.wait_dma2 semaphore(%arg22 : memref<!tpu.dma_semaphore, #tpu.memory_space<semaphore_mem>>) src(%arg10 : memref<128x128xf32, #tpu.memory_space<vmem>>) dst(%dma_wait3A_96 : memref<128x128xf32, #tpu.memory_space<hbm>>)
    %dma_wait3A_97 = arith.constant 47 : i32
    %dma_wait3A_98 = arith.constant 0 : i32
    %dma_wait3A_99 = tpu.memref_slice %arg4[%dma_wait3A_97, %mul3A_2, %dma_wait3A_98] : memref<50x4096x128xf32, #tpu.memory_space<hbm>> -> memref<1x128x128xf32, #tpu.memory_space<hbm>>
    %dma_wait3A_100 = tpu.memref_squeeze %dma_wait3A_99 : memref<1x128x128xf32, #tpu.memory_space<hbm>> -> memref<128x128xf32, #tpu.memory_space<hbm>>
    %dma_wait3A_101 = arith.constant 0 : i32
    %dma_wait3A_102 = tpu.memref_slice %arg4[%dma_wait3A_97, %mul3A_2, %dma_wait3A_101] : memref<50x4096x128xf32, #tpu.memory_space<hbm>> -> memref<1x128x128xf32, #tpu.memory_space<hbm>>
    %dma_wait3A_103 = tpu.memref_squeeze %dma_wait3A_102 : memref<1x128x128xf32, #tpu.memory_space<hbm>> -> memref<128x128xf32, #tpu.memory_space<hbm>>
    tpu.wait_dma2 semaphore(%arg23 : memref<!tpu.dma_semaphore, #tpu.memory_space<semaphore_mem>>) src(%arg11 : memref<128x128xf32, #tpu.memory_space<vmem>>) dst(%dma_wait3A_103 : memref<128x128xf32, #tpu.memory_space<hbm>>)
    %dma_wait3A_104 = arith.constant 48 : i32
    %dma_wait3A_105 = arith.constant 0 : i32
    %dma_wait3A_106 = tpu.memref_slice %arg4[%dma_wait3A_104, %mul3A_2, %dma_wait3A_105] : memref<50x4096x128xf32, #tpu.memory_space<hbm>> -> memref<1x128x128xf32, #tpu.memory_space<hbm>>
    %dma_wait3A_107 = tpu.memref_squeeze %dma_wait3A_106 : memref<1x128x128xf32, #tpu.memory_space<hbm>> -> memref<128x128xf32, #tpu.memory_space<hbm>>
    %dma_wait3A_108 = arith.constant 0 : i32
    %dma_wait3A_109 = tpu.memref_slice %arg4[%dma_wait3A_104, %mul3A_2, %dma_wait3A_108] : memref<50x4096x128xf32, #tpu.memory_space<hbm>> -> memref<1x128x128xf32, #tpu.memory_space<hbm>>
    %dma_wait3A_110 = tpu.memref_squeeze %dma_wait3A_109 : memref<1x128x128xf32, #tpu.memory_space<hbm>> -> memref<128x128xf32, #tpu.memory_space<hbm>>
    tpu.wait_dma2 semaphore(%arg18 : memref<!tpu.dma_semaphore, #tpu.memory_space<semaphore_mem>>) src(%arg6 : memref<128x128xf32, #tpu.memory_space<vmem>>) dst(%dma_wait3A_110 : memref<128x128xf32, #tpu.memory_space<hbm>>)
    %dma_wait3A_111 = arith.constant 49 : i32
    %dma_wait3A_112 = arith.constant 0 : i32
    %dma_wait3A_113 = tpu.memref_slice %arg4[%dma_wait3A_111, %mul3A_2, %dma_wait3A_112] : memref<50x4096x128xf32, #tpu.memory_space<hbm>> -> memref<1x128x128xf32, #tpu.memory_space<hbm>>
    %dma_wait3A_114 = tpu.memref_squeeze %dma_wait3A_113 : memref<1x128x128xf32, #tpu.memory_space<hbm>> -> memref<128x128xf32, #tpu.memory_space<hbm>>
    %dma_wait3A_115 = arith.constant 0 : i32
    %dma_wait3A_116 = tpu.memref_slice %arg4[%dma_wait3A_111, %mul3A_2, %dma_wait3A_115] : memref<50x4096x128xf32, #tpu.memory_space<hbm>> -> memref<1x128x128xf32, #tpu.memory_space<hbm>>
    %dma_wait3A_117 = tpu.memref_squeeze %dma_wait3A_116 : memref<1x128x128xf32, #tpu.memory_space<hbm>> -> memref<128x128xf32, #tpu.memory_space<hbm>>
    tpu.wait_dma2 semaphore(%arg19 : memref<!tpu.dma_semaphore, #tpu.memory_space<semaphore_mem>>) src(%arg7 : memref<128x128xf32, #tpu.memory_space<vmem>>) dst(%dma_wait3A_117 : memref<128x128xf32, #tpu.memory_space<hbm>>)
    return
  }
}

</mosaic_0001>

<sc_bundles>
// kernel: _lookup_t.3.cloned.1.call-start
scs
__scs_entry_jumppad:
0x0: {  	(pc) =	sbr.rel $0x88, $3  }
0x1: {  	(tag) =	ssettag $0x0;
	lr =	simm.s32 $0x1  }
0x2: {  	[smem:$0x3F9F] =	sst lr;
	_ =	strace $0xD0000000  }
0x3: {  	_ = 	snop  }
0x4: {  	_ = 	snop  }
0x5: {  	_ = 	snop  }
0x6: {  	_ = 	snop  }
0x7: {  	_ = 	snop  }
__scs_overlays_trampoline_lowered:
0x8: {  	[smem:$0x3FAE] =	sst s0  }
0x9: {  	[smem:$0x3FAF] =	sst s1  }
0xa: {  	[smem:$0x3FB0] =	sst s2  }
0xb: {  	[smem:$0x3FB1] =	sst s3  }
0xc: {  	[smem:$0x3FB2] =	sst s4  }
0xd: {  	[smem:$0x3FB3] =	sst s5  }
0xe: {  	[smem:$0x3FB4] =	sst s6  }
0xf: {  	[smem:$0x3FB5] =	sst s7  }
0x10: {  	[smem:$0x3FB6] =	sst s8  }
0x11: {  	[smem:$0x3FB7] =	sst s9;
	s0 =	simm.s32 @!p0 $0x0  }
0x12: {  	s1 =	sld [smem:$0x3F9D];
	s0 =	simm.s32 @p0 $0x1  }
0x13: {  	[smem:$0x3FB8] =	sst s0;
	s0 =	simm.s32 @!p1 $0x0  }
0x14: {  	s2 =	sld [smem:$0x3F9C];
	s0 =	simm.s32 @p1 $0x1  }
0x15: {  	[smem:$0x3FB9] =	sst s0;
	s0 =	simm.s32 @!p2 $0x0  }
0x16: {  	s3 =	sld [smem:$0x3FDB];
	s0 =	simm.s32 @p2 $0x1  }
0x17: {  	s4 =	simm.s32 $0x1BF5;
	[smem:$0x3FBB] =	sst s0  }
0x18: {  	s0 =	sld [smem:$0x3F9E];
	_ =	swait.ge [sflag:s4], $0x0  }
0x19: {  	s7 =	sld [smem:$0x3F9F]  }
0x1a: {  	s8 =	sadd.s32 $0xFFFFE003, lr  }
0x1b: {  	s9 =	sadd.s32 $0xFFFFFEF7, lr;
	s5 =	simm.s32 $0xFFFFFFFF;
	p2 =	slt.u32 s8, $0xFFFFF086  }
0x1c: {  	p1 =	slt.u32 s9, $0xF7A;
	s5 =	simm.s32 @!p2 $0x0  }
0x1d: {  	s5 =	simm.s32 @p1 $0x1;
	p0 =	seq.s32 s7, s2  }
0x1e: {  	s7 =	smul.u32 @!p0 $0xF7A, s2;
	p2 =	seq.s32 @!p0 s5, $0x0  }
0x1f: {  	s9 =	smul.u32 $0xF7A, s1;
	s8 =	simm.s32 @!p0 $0x1BF5;
	p2 =	por !p2, p0  }
0x20: {  	[sflag:s8] =	ssyncset.s32 @!p0 $0xFFFFF086;
	s6 =	sadd.s32 @!p0 s3, s7;
	s7 =	simm.s32 @!p0 $0x108  }
0x21: {  	s3 =	sadd.s32 s3, s9;
	s6 =	sadd.s32 @!p0 $0x88, s6;
	s7 =	simm.s32 @p2 $0x1082  }
0x22: {  	[simem:s7], [sflag:s8] =	dma.local @!p0 [hbm:s6], $0xF7A  }
0x23: {  	s9 =	sor.u32 $0xD0000000, s2;
	s6 =	simm.s32 $0x108;
	_ =	swait.ge @!p0 [sflag:s8], $0x0  }
0x24: {  	s3 =	sadd.s32 $0x88, s3;
	s6 =	simm.s32 @!p1 $0x1082;
	[sflag:s4] =	ssyncset.s32 $0xFFFFF086  }
0x25: {  	[simem:s6], [sflag:s4] =	dma.local [hbm:s3], $0xF7A  }
0x26: {  	[smem:$0x3F9F] =	sst s1;
	(tag) =	ssettag s2;
	_ =	strace s9  }
0x27: {  	s1 =	sld [smem:$0x3FAF]  }
0x28: {  	s2 =	sld [smem:$0x3FB0]  }
0x29: {  	s4 =	sld [smem:$0x3FB2]  }
0x2a: {  	p0 =	seq.s32 s5, $0x0;
	s5 =	sld [smem:$0x3FB3]  }
0x2b: {  	s6 =	sld [smem:$0x3FB4]  }
0x2c: {  	s7 =	sld [smem:$0x3FB5]  }
0x2d: {  	s3 =	simm.s32 $0x108;
	s8 =	sld [smem:$0x3FB6]  }
0x2e: {  	s3 =	simm.s32 @!p0 $0x1082;
	s9 =	sld [smem:$0x3FB7]  }
0x2f: {  	lr =	sadd.s32 s0, s3;
	s0 =	sld [smem:$0x3FAE]  }
0x30: {  	s3 =	sld [smem:$0x3FB1]  }
0x31: {  	[smem:$0x3FBA] =	sst s10  }
0x32: {  	s10 =	sld [smem:$0x3FB8];
	_ =	sdelay $0x3  }
0x33: {  	p0 =	seq.s32 s10, $0x1;
	s10 =	sld [smem:$0x3FBA];
	_ =	sdelay $0x3  }
0x34: {  	[smem:$0x3FBA] =	sst s10  }
0x35: {  	s10 =	sld [smem:$0x3FB9];
	_ =	sdelay $0x3  }
0x36: {  	p1 =	seq.s32 s10, $0x1;
	s10 =	sld [smem:$0x3FBA];
	_ =	sdelay $0x3  }
0x37: {  	[smem:$0x3FBA] =	sst s10  }
0x38: {  	s10 =	sld [smem:$0x3FBB]  }
0x39: {  	_ = 	snop;
	(pc) =	sbr.ind lr, $3  }
0x3a: {  	_ = 	snop  }
0x3b: {  	_ = 	snop  }
0x3c: {  	p2 =	seq.s32 s10, $0x1;
	s10 =	sld [smem:$0x3FBA]  }
0x3d: {  	_ =	shalt  }
0x3e: {  	_ =	shalt  }
0x3f: {  	_ =	shalt  }
0x40: {  	_ =	shalt  }
0x41: {  	_ =	shalt  }
0x42: {  	_ =	shalt  }
0x43: {  	_ =	shalt  }
0x44: {  	_ =	shalt  }
0x45: {  	_ =	shalt  }
0x46: {  	_ =	shalt  }
0x47: {  	_ =	shalt  }
0x48: {  	_ =	shalt  }
0x49: {  	_ =	shalt  }
0x4a: {  	_ =	shalt  }
0x4b: {  	_ =	shalt  }
0x4c: {  	_ =	shalt  }
0x4d: {  	_ =	shalt  }
0x4e: {  	_ =	shalt  }
0x4f: {  	_ =	shalt  }
0x50: {  	_ =	shalt  }
0x51: {  	_ =	shalt  }
0x52: {  	_ =	shalt  }
0x53: {  	_ =	shalt  }
0x54: {  	_ =	shalt  }
0x55: {  	_ =	shalt  }
0x56: {  	_ =	shalt  }
0x57: {  	_ =	shalt  }
0x58: {  	_ =	shalt  }
0x59: {  	_ =	shalt  }
0x5a: {  	_ =	shalt  }
0x5b: {  	_ =	shalt  }
0x5c: {  	_ =	shalt  }
0x5d: {  	_ =	shalt  }
0x5e: {  	_ =	shalt  }
0x5f: {  	_ =	shalt  }
0x60: {  	_ =	shalt  }
0x61: {  	_ =	shalt  }
0x62: {  	_ =	shalt  }
0x63: {  	_ =	shalt  }
0x64: {  	_ =	shalt  }
0x65: {  	_ =	shalt  }
0x66: {  	_ =	shalt  }
0x67: {  	_ =	shalt  }
0x68: {  	_ =	shalt  }
0x69: {  	_ =	shalt  }
0x6a: {  	_ =	shalt  }
0x6b: {  	_ =	shalt  }
0x6c: {  	_ =	shalt  }
0x6d: {  	_ =	shalt  }
0x6e: {  	_ =	shalt  }
0x6f: {  	_ =	shalt  }
0x70: {  	_ =	shalt  }
0x71: {  	_ =	shalt  }
0x72: {  	_ =	shalt  }
0x73: {  	_ =	shalt  }
0x74: {  	_ =	shalt  }
0x75: {  	_ =	shalt  }
0x76: {  	_ =	shalt  }
0x77: {  	_ =	shalt  }
0x78: {  	_ =	shalt  }
0x79: {  	_ =	shalt  }
0x7a: {  	_ =	shalt  }
0x7b: {  	_ =	shalt  }
0x7c: {  	_ =	shalt  }
0x7d: {  	_ =	shalt  }
0x7e: {  	_ =	shalt  }
0x7f: {  	_ =	shalt  }
0x80: {  	_ =	shalt  }
0x81: {  	_ =	shalt  }
0x82: {  	_ =	shalt  }
0x83: {  	_ =	shalt  }
0x84: {  	_ =	shalt  }
0x85: {  	_ =	shalt  }
0x86: {  	_ =	shalt  }
0x87: {  	_ =	shalt  }
.Lfunc_end0:
.L_simem_size_0:
called_computation_lowered:
.L_overlay_start_0:
0x88: {  	s2 =	sld [smem:$0x3FD9]  }
0x89: {  	s3 =	sld [smem:$0x3FFE];
	_ =	sdelay $0x1  }
0x8a: {  	s1 =	srdreg.scid  }
0x8b: {  	s0 =	sand.u32 $0x1, s1  }
0x8c: {  	s18 =	sshll.u32 s0, $0xA;
	s2 =	sadd.s32 s3, s2  }
0x8d: {  	s2 =	sadd.s32 s2, s18  }
0x8e: {  	[smem:$0x3FC6] =	sst s2  }
0x8f: {  	_ = 	snop  }
0x90: {  	s2 =	sld [smem:$0x3FC9]  }
0x91: {  	s19 =	sld [smem:$0x3FC8]  }
0x92: {  	s4 =	sld [smem:$0x3FD0];
	(tm) =	ssettm $0x1  }
0x93: {  	s5 =	sld [smem:$0x3FFB];
	_ =	sdelay $0x3  }
0x94: {  	_ =	strace s5  }
0x95: {  	s5 =	sld [smem:$0x3FFC];
	_ =	sdelay $0x3  }
0x96: {  	_ =	strace s5  }
0x97: {  	s5 =	sld [smem:$0x3FFD];
	_ =	sdelay $0x3  }
0x98: {  	_ =	strace s5  }
0x99: {  	_ =	strace $0x8FFFFFFF  }
0x9a: {  	s20 =	sld [smem:$0x3FDB];
	_ =	sdelay $0x1  }
0x9b: {  	s6 =	simm.s32 $_scs_section_size  }
0x9c: {  	s7 =	simm.s32 $_size__tile_overlayer_lowered;
	s8 =	simm.s32 $_tile_overlayer_lowered  }
0x9d: {  	s23 =	simm.s32 $0x1BFF;
	s22 =	sshll.u32 s8, $0x1;
	s5 =	sadd.s32 s6, s20  }
0x9e: {  	s9 =	simm.s32 $0x0;
	s21 =	sshll.u32 s7, $0x1;
	s7 =	sadd.s32 s22, s5  }
0x9f: {  	[timem:s9], [sflag:s23] =	dma.local [hbm:s7], s21  }
0xa0: {  	_ =	swait.ge [sflag:s23], s21  }
0xa1: {  	s6 =	ssub.s32 $0x0, s21;
	[sflag:s23] =	ssyncset.done $0x0  }
0xa2: {  	[sflag:s23] =	ssyncadd.s32 s6;
	_ =	sdelay $0x1  }
0xa3: {  	s24 =	simm.s32 $0x1B8B  }
0xa4: {  	_ =	swait.ge [sflag:s24], $0x1  }
0xa5: {  	[sflag:s24] =	ssyncset.done $0x0  }
0xa6: {  	s25 =	simm.s32 $0x1B8E;
	[sflag:s24] =	ssyncadd.s32 $0xFFFFFFFF  }
0xa7: {  	s26 =	simm.s32 $execute0_lowered;
	[smem:$0x3FD2] =	sst s25  }
0xa8: {  	s6 =	sshll.u32 s26, $0x1;
	_ =	strace $0x80000046;
	[dreg:$0x1] =	wrdreg $0xFFFFFFFF  }
0xa9: {  	s28 =	simm.s32 $_size_execute0_lowered;
	s5 =	sadd.s32 s5, s6;
	[dreg:$0x0] =	wrdreg $0x0  }
0xaa: {  	s6 =	sshll.u32 s28, $0x1;
	[dreg:$0x2] =	wrdreg s5  }
0xab: {  	[dreg:$0x3] =	wrdreg s6  }
0xac: {  	[dreg:$0x4] =	wrdreg $0xC0  }
0xad: {  	_ =	task [dreg:s9], $0x5FFFF  }
0xae: {  	[dreg:$0x1] =	wrdreg $0xFFFFFFFF  }
0xaf: {  	[dreg:$0x0] =	wrdreg $0x60  }
0xb0: {  	[dreg:$0x2] =	wrdreg s2  }
0xb1: {  	[dreg:$0x3] =	wrdreg s19  }
0xb2: {  	[dreg:$0x4] =	wrdreg s4  }
0xb3: {  	[dreg:$0x5] =	wrdreg $0x9  }
0xb4: {  	_ =	task.clear_ibuf [dreg:s9], $0x6FFFF;
	_ =	strace $0x90000046  }
0xb5: {  	s29 =	simm.s32 $0x9;
	_ =	strace $0x80000048  }
0xb6: {  	_ =	swait.ge [sflag:s29], $0x1  }
0xb7: {  	[sflag:s29] =	ssyncadd.s32 $0xFFFFFFFF  }
0xb8: {  	_ =	strace $0x90000048  }
0xb9: {  	_ =	sfence  }
0xba: {  	s30 =	sld [smem:$0x0];
	_ =	sdelay $0x2  }
0xbb: {  	s31 =	sshll.u32 s1, $0xD;
	s1 =	sshrl.u32 s1, $0x2  }
0xbc: {  	s3 =	sand.u32 $0x4000, s31;
	s1 =	sadd.s32 s1, s30  }
0xbd: {  	s0 =	sor.u32 s3, s0;
	s1 =	sshll.u32 s1, $0x11  }
0xbe: {  	s0 =	sor.u32 s1, s0  }
0xbf: {  	s0 =	sadd.s32 $0x8F2B, s0  }
0xc0: {  	[sflag:s0] =	ssyncadd.remote.s32 $0x1  }
0xc1: {  	_ =	sfence.sel $0xFFFF  }
0xc2: {  	[dreg:$0x0] =	wrdreg $0xFFFFFFFF;
	(pc) =	sbr.abs _section_cstart, $3  }
0xc3: {  	[dreg:$0x1] =	wrdreg $0xFFFFFFFF  }
0xc4: {  	_ =	task.clear_ibuf [dreg:s9], $0x2FFFF;
	_ =	strace $0x9FFFFFFF  }
0xc5: {  	(tm) =	ssettm $0x7FFFFFFF  }
tec
execute0_lowered:
.L_overlay_start_1:
0x0: {  	(tag) =	ssettag $0x1  }
0x1: {  	s0 =	rddreg [dreg:$0x0]  }
0x2: {  	s1 =	rddreg [dreg:$0x1]  }
0x3: {  	s2 =	rddreg [dreg:$0x2];
	s4 =	simm.s32 $0x0;
	s3 =	srdreg.scid  }
0x4: {  	s9 =	stileid.u32;
	s28 =	simm.s32 $0xDC00;
	s31 =	simm.s32 $0x1  }
0x5: {  	s29 =	simm.s32 $0x6;
	[smem:$0x7FF] =	sst s4;
	s3 =	sand.u32 $0x1, s3  }
0x6: {  	s6 =	sshll.u32 s9, $0x8;
	s16 =	sshll.u32 s9, $0xF;
	s5 =	ssub.s32 $0x2, s3  }
0x7: {  	s7 =	sshll.u32 s3, $0x7;
	_ =	strace $0x80000047;
	s8 =	sshrl.u32 s5, $0x1  }
0x8: {  	s3 =	sshll.u32 s3, $0xE;
	s6 =	sor.u32 s7, s6;
	s5 =	ssub.s32 s5, s8  }
0x9: {  	s7 =	sadd.s32 s0, s6;
	s15 =	sshll.u32 s6, $0x4;
	s0 =	sor.u32 s3, s16  }
0xa: {  	s8 =	simm.s32 $0xC;
	s6 =	sadd.s32 s2, s15;
	[dreg:$0x4] =	wrdreg s7  }
0xb: {  	s7 =	sadd.s32 $0x6000, s7;
	s18 =	smax.u32 s5, $0x1;
	s19 =	sor.u32 $0x280000, s0  }
0xc: {  	s20 =	sor.u32 $0x200000, s0;
	s22 =	sor.u32 $0x180000, s0;
	[dreg:$0x6] =	wrdreg s7  }
0xd: {  	s23 =	sor.u32 $0x100000, s0;
	s24 =	sshrl.u32 s0, $0x3;
	[dreg:$0x8] =	wrdreg s18  }
0xe: {  	s0 =	sor.u32 $0x300000, s0;
	s17 =	sadd.s32 $0x310000, s6;
	[dreg:$0x5] =	wrdreg s6  }
0xf: {  	s10 =	sadd.s32 $0x2E0000, s6;
	s3 =	sshrl.u32 s19, $0x3;
	s5 =	sshrl.u32 s20, $0x3  }
0x10: {  	s25 =	sshrl.u32 s23, $0x3;
	s26 =	sadd.s32 s24, s2;
	[dreg:$0xe] =	wrdreg s0  }
0x11: {  	s23 =	simm.s32 $0x5C00;
	s18 =	simm.s32 $0x7;
	s19 =	simm.s32 $0x3  }
0x12: {  	s24 =	simm.s32 $0x8;
	[dreg:$0x7] =	wrdreg s17;
	s3 =	sadd.s32 s3, s2  }
0x13: {  	s21 =	sadd.s32 s5, s2;
	s30 =	sadd.s32 $0x10000, s26;
	s17 =	simm.s32 $0x2  }
.Ltmp0:
0x14: {  	s26 =	simm.s32 $0x4;
	[dreg:$0x9] =	wrdreg s3;
	(pc) =	sbr.rel .LBB2_1-.Ltmp0, $4  }
0x15: {  	s5 =	simm.s32 $0x0;
	[dreg:$0xa] =	wrdreg s21;
	s3 =	sshrl.u32 s22, $0x3  }
0x16: {  	[dreg:$0xd] =	wrdreg s30;
	s21 =	simm.s32 $0x80;
	s3 =	sadd.s32 s3, s2  }
0x17: {  	s22 =	simm.s32 $0x1C00;
	[dreg:$0xb] =	wrdreg s3;
	s3 =	sadd.s32 s25, s2  }
0x18: {  	s25 =	simm.s32 $0x9C00;
	[dreg:$0xc] =	wrdreg s3;
	s3 =	simm.s32 $0x15C00  }
.LBB2_4:
0x19: {  	_ =	swait.ge [sflag:s17], $0x4000  }
0x1a: {  	[sflag:s17] =	ssyncset.done $0x0  }
0x1b: {  	s15 =	simm.s32 $0x9;
	s0 =	rddreg [dreg:$0x7];
	[sflag:s17] =	ssyncadd.s32 $0xFFFFC000  }
0x1c: {  	[hbm4b:s0+s4] =	stream.linear.scatter [tilespmem:s23], [sflag:$0x8], $0x4000, $0x38;
	[tilespmem:$0x19C00] =	vst v63  }
0x1d: {  	_ =	swait.ge [sflag:s15], $0x4000  }
0x1e: {  	[sflag:s15] =	ssyncset.done $0x0  }
0x1f: {  	s16 =	simm.s32 $0xA;
	[sflag:s15] =	ssyncadd.s32 $0xFFFFC000  }
0x20: {  	_ =	swait.ge [sflag:s16], $0x4000  }
0x21: {  	[sflag:s16] =	ssyncset.done $0x0  }
0x22: {  	s20 =	simm.s32 $0xB;
	[sflag:s16] =	ssyncadd.s32 $0xFFFFC000  }
0x23: {  	_ =	swait.ge [sflag:s20], $0x4000  }
0x24: {  	[sflag:s20] =	ssyncset.done $0x0  }
0x25: {  	[sflag:s20] =	ssyncadd.s32 $0xFFFFC000  }
0x26: {  	_ =	swait.ge [sflag:s8], $0x4000  }
0x27: {  	[sflag:s8] =	ssyncset.done $0x0  }
0x28: {  	[sflag:s8] =	ssyncadd.s32 $0xFFFFC000  }
0x29: {  	_ =	swait.ge [sflag:s18], $0x4000  }
0x2a: {  	[sflag:s18] =	ssyncset.done $0x0  }
0x2b: {  	[sflag:s18] =	ssyncadd.s32 $0xFFFFC000  }
0x2c: {  	_ =	swait.ge [sflag:s24], $0x4000  }
0x2d: {  	s5 =	rddreg [dreg:$0xf]  }
0x2e: {  	s30 =	rddreg [dreg:$0x8];
	s5 =	sadd.s32 $0x1, s5  }
0x2f: {  	p0 =	sne.s32 s5, s30  }
.Ltmp1:
0x30: {  	_ = 	snop;
	(pc) =	sbr.rel @!p0 .LBB2_5-.Ltmp1, $3  }
0x31: {  	_ =	sdelay $0x1  }
0x32: {  	[sflag:s24] =	ssyncset.done $0x0  }
0x33: {  	[sflag:s24] =	ssyncadd.s32 $0xFFFFC000  }
.LBB2_1:
0x34: {  	[dreg:$0xf] =	wrdreg s5  }
0x35: {  	s0 =	rddreg [dreg:$0x4];
	s7 =	simm.s32 $0x400;
	s6 =	simm.s32 $0x8000  }
0x36: {  	[tilespmem:s4], [sflag:$0xD] =	stream.strided.gather [hbm4b:s0+s7], $0x1800, s6, s7, $0x38;
	[tilespmem:$0x19C00] =	vst v63  }
0x37: {  	s9 =	rddreg [dreg:$0x6];
	s11 =	simm.s32 $0x1800;
	s12 =	simm.s32 $0xD  }
0x38: {  	[tilespmem:s11], [sflag:$0xD] =	stream.linear.gather [hbm4b:s9+s4], $0x100, $0x38;
	[tilespmem:$0x19C00] =	vst v63  }
0x39: {  	_ =	swait.ge [sflag:s12], $0x1900  }
0x3a: {  	[sflag:s12] =	ssyncset.done $0x0  }
0x3b: {  	[sflag:s12] =	ssyncadd.s32 $0xFFFFE700  }
0x3c: {  	[tilespmem:s22], [sflag:$0x1] =	stream.indirect.gather [hbm4b:s1+s21], $0x80, s4, s21, $0xb8;
	[tilespmem:$0x19C00] =	vst v63  }
0x3d: {  	_ = 	snop  }
0x3e: {  	[tilespmem:s23], [sflag:$0x2] =	stream.indirect.gather [hbm4b:s1+s21], $0x80, s21, s21, $0xb8;
	[tilespmem:$0x19C00] =	vst v63  }
0x3f: {  	s13 =	simm.s32 $0x100  }
0x40: {  	[tilespmem:s25], [sflag:$0x3] =	stream.indirect.gather [hbm4b:s1+s21], $0x80, s13, s21, $0xb8;
	[tilespmem:$0x19C00] =	vst v63  }
0x41: {  	s14 =	simm.s32 $0x180  }
0x42: {  	[tilespmem:s28], [sflag:$0x4] =	stream.indirect.gather [hbm4b:s1+s21], $0x80, s14, s21, $0xb8;
	[tilespmem:$0x19C00] =	vst v63  }
0x43: {  	s15 =	simm.s32 $0x200;
	s16 =	simm.s32 $0x11C00  }
0x44: {  	[tilespmem:s16], [sflag:$0x5] =	stream.indirect.gather [hbm4b:s1+s21], $0x80, s15, s21, $0xb8;
	[tilespmem:$0x19C00] =	vst v63  }
0x45: {  	_ =	swait.ge [sflag:s31], $0x4000  }
0x46: {  	s20 =	rddreg [dreg:$0x5]  }
0x47: {  	s16 =	rddreg [dreg:$0xe]  }
0x48: {  	s15 =	rddreg [dreg:$0xd]  }
0x49: {  	s14 =	rddreg [dreg:$0xc]  }
0x4a: {  	[sflag:s31] =	ssyncset.done $0x0;
	s13 =	rddreg [dreg:$0xb]  }
0x4b: {  	s12 =	rddreg [dreg:$0xa];
	[sflag:s31] =	ssyncadd.s32 $0xFFFFC000  }
0x4c: {  	[hbm4b:s20+s4] =	stream.linear.scatter [tilespmem:s22], [sflag:$0x7], $0x4000, $0x38;
	[tilespmem:$0x19C00] =	vst v63  }
0x4d: {  	s30 =	simm.s32 $0x280;
	s6 =	simm.s32 $0x0;
	s11 =	rddreg [dreg:$0x9]  }
0x4e: {  	[tilespmem:s3], [sflag:$0x6] =	stream.indirect.gather [hbm4b:s1+s21], $0x80, s30, s21, $0xb8;
	[tilespmem:$0x19C00] =	vst v63  }
.LBB2_2:
0x4f: {  	_ =	swait.ge [sflag:s17], $0x4000  }
0x50: {  	[sflag:s17] =	ssyncset.done $0x0  }
0x51: {  	[sflag:s17] =	ssyncadd.s32 $0xFFFFC000  }
0x52: {  	[hbm4b:s15+s4] =	stream.linear.scatter [tilespmem:s23], [sflag:$0x8], $0x4000, $0x38;
	[tilespmem:$0x19C00] =	vst v63  }
0x53: {  	_ =	swait.ge [sflag:s18], $0x4000  }
0x54: {  	s9 =	sshra.s32 s6, $0x2;
	[sflag:s18] =	ssyncset.done $0x0  }
0x55: {  	s20 =	sadd.s32 $0x300, s9;
	[sflag:s18] =	ssyncadd.s32 $0xFFFFC000  }
0x56: {  	[tilespmem:s22], [sflag:$0x1] =	stream.indirect.gather [hbm4b:s1+s21], $0x80, s20, s21, $0xb8;
	[tilespmem:$0x19C00] =	vst v63  }
0x57: {  	_ =	swait.ge [sflag:s19], $0x4000  }
0x58: {  	[sflag:s19] =	ssyncset.done $0x0  }
0x59: {  	[sflag:s19] =	ssyncadd.s32 $0xFFFFC000  }
0x5a: {  	[hbm4b:s14+s4] =	stream.linear.scatter [tilespmem:s25], [sflag:$0x9], $0x4000, $0x38;
	[tilespmem:$0x19C00] =	vst v63  }
0x5b: {  	_ =	swait.ge [sflag:s24], $0x4000  }
0x5c: {  	[sflag:s24] =	ssyncset.done $0x0  }
0x5d: {  	s7 =	sadd.s32 $0x380, s9;
	[sflag:s24] =	ssyncadd.s32 $0xFFFFC000  }
0x5e: {  	[tilespmem:s23], [sflag:$0x2] =	stream.indirect.gather [hbm4b:s1+s21], $0x80, s7, s21, $0xb8;
	[tilespmem:$0x19C00] =	vst v63  }
0x5f: {  	_ =	swait.ge [sflag:s26], $0x4000  }
0x60: {  	p0 =	seq.s32 s6, $0x5400;
	[sflag:s26] =	ssyncset.done $0x0  }
0x61: {  	s20 =	simm.s32 @p0 $0x5;
	[sflag:s26] =	ssyncadd.s32 $0xFFFFC000  }
0x62: {  	[hbm4b:s13+s4] =	stream.linear.scatter [tilespmem:s28], [sflag:$0xA], $0x4000, $0x38;
	[tilespmem:$0x19C00] =	vst v63  }
0x63: {  	_ =	swait.ge @p0 [sflag:s20], $0x4000  }
0x64: {  	[sflag:s20] =	ssyncset.done @p0 $0x0  }
0x65: {  	s30 =	simm.s32 @p0 $0x11C00;
	[sflag:s20] =	ssyncadd.s32 @p0 $0xFFFFC000;
	s20 =	simm.s32 @p0 $0x0  }
0x66: {  	[hbm4b:s10+s20] =	stream.linear.scatter @p0 [tilespmem:s30], [sflag:$0xB], $0x4000, $0x38;
	[tilespmem:$0x19C00] =	vst v63  }
0x67: {  	s20 =	simm.s32 @!p0 $0x9  }
0x68: {  	_ =	swait.ge @!p0 [sflag:s20], $0x4000  }
0x69: {  	[sflag:s20] =	ssyncset.done @!p0 $0x0  }
0x6a: {  	[sflag:s20] =	ssyncadd.s32 @!p0 $0xFFFFC000;
	s20 =	sshra.s32 @!p0 s6, $0x2  }
0x6b: {  	s0 =	simm.s32 @!p0 $0x80;
	s7 =	simm.s32 @!p0 $0x9C00;
	s30 =	sadd.s32 @!p0 $0x400, s20  }
0x6c: {  	[tilespmem:s7], [sflag:$0x3] =	stream.indirect.gather @!p0 [hbm4b:s1+s0], $0x80, s30, s0, $0xb8;
	[tilespmem:$0x19C00] =	vst v63  }
0x6d: {  	s7 =	simm.s32 @!p0 $0x5  }
0x6e: {  	_ =	swait.ge @!p0 [sflag:s7], $0x4000  }
0x6f: {  	[sflag:s7] =	ssyncset.done @!p0 $0x0  }
0x70: {  	s30 =	simm.s32 @!p0 $0x11C00;
	[sflag:s7] =	ssyncadd.s32 @!p0 $0xFFFFC000;
	s7 =	simm.s32 @!p0 $0x0  }
0x71: {  	[hbm4b:s12+s7] =	stream.linear.scatter @!p0 [tilespmem:s30], [sflag:$0xB], $0x4000, $0x38;
	[tilespmem:$0x19C00] =	vst v63  }
0x72: {  	s7 =	simm.s32 @!p0 $0xA  }
0x73: {  	_ =	swait.ge @!p0 [sflag:s7], $0x4000  }
0x74: {  	[sflag:s7] =	ssyncset.done @!p0 $0x0  }
0x75: {  	s5 =	simm.s32 @!p0 $0xDC00;
	[sflag:s7] =	ssyncadd.s32 @!p0 $0xFFFFC000;
	s7 =	sadd.s32 @!p0 $0x480, s20  }
0x76: {  	[tilespmem:s5], [sflag:$0x4] =	stream.indirect.gather @!p0 [hbm4b:s1+s0], $0x80, s7, s0, $0xb8;
	[tilespmem:$0x19C00] =	vst v63  }
0x77: {  	_ =	swait.ge [sflag:s29], $0x4000  }
0x78: {  	[sflag:s29] =	ssyncset.done $0x0  }
0x79: {  	s5 =	simm.s32 @!p0 $0xB;
	[sflag:s29] =	ssyncadd.s32 $0xFFFFC000  }
0x7a: {  	[hbm4b:s11+s4] =	stream.linear.scatter [tilespmem:s3], [sflag:$0xC], $0x4000, $0x38;
	[tilespmem:$0x19C00] =	vst v63  }
0x7b: {  	_ =	swait.ge @!p0 [sflag:s5], $0x4000  }
0x7c: {  	[sflag:s5] =	ssyncset.done @!p0 $0x0  }
0x7d: {  	[sflag:s5] =	ssyncadd.s32 @!p0 $0xFFFFC000;
	s5 =	sadd.s32 @!p0 $0x500, s20  }
0x7e: {  	[tilespmem:s30], [sflag:$0x5] =	stream.indirect.gather @!p0 [hbm4b:s1+s0], $0x80, s5, s0, $0xb8;
	[tilespmem:$0x19C00] =	vst v63  }
.Ltmp2:
0x7f: {  	_ = 	snop;
	(pc) =	sbr.rel @p0 .LBB2_4-.Ltmp2, $4  }
0x80: {  	_ =	swait.ge [sflag:s31], $0x4000  }
0x81: {  	s30 =	sshrl.u32 s16, $0x3;
	[sflag:s31] =	ssyncset.done $0x0  }
0x82: {  	s0 =	sadd.s32 s2, s30;
	[sflag:s31] =	ssyncadd.s32 $0xFFFFC000  }
0x83: {  	[hbm4b:s0+s4] =	stream.linear.scatter [tilespmem:s22], [sflag:$0x7], $0x4000, $0x38;
	[tilespmem:$0x19C00] =	vst v63  }
.Ltmp3:
0x84: {  	_ =	swait.ge [sflag:s8], $0x4000;
	s0 =	sadd.s32 $0x580, s9;
	(pc) =	sbr.rel .LBB2_2-.Ltmp3, $4  }
0x85: {  	s11 =	sadd.s32 $0x60000, s11;
	s12 =	sadd.s32 $0x60000, s12;
	s13 =	sadd.s32 $0x60000, s13  }
0x86: {  	s14 =	sadd.s32 $0x60000, s14;
	s15 =	sadd.s32 $0x60000, s15;
	[sflag:s8] =	ssyncset.done $0x0  }
0x87: {  	s6 =	sadd.s32 $0xC00, s6;
	s16 =	sadd.s32 $0x300000, s16;
	[sflag:s8] =	ssyncadd.s32 $0xFFFFC000  }
0x88: {  	[tilespmem:s3], [sflag:$0x6] =	stream.indirect.gather [hbm4b:s1+s21], $0x80, s0, s21, $0xb8;
	[tilespmem:$0x19C00] =	vst v63  }
.LBB2_5:
0x89: {  	_ =	sfence.sel $0x180000  }
0x8a: {  	[bflag:$0x0] =	sbarrier.arrive $0xFFFF  }
0x8b: {  	_ =	strace $0x90000047  }
0x8c: {  	s0 =	stileid.u32;
	[bflag:$0x2] =	sbarrier.arrive $0xFFFF  }
0x8d: {  	p0 =	sne.s32 s0, $0x0;
	s0 =	rddreg [dreg:$0x3]  }
0x8e: {  	s0 =	sadd.s32 @!p0 $0x100000, s0  }
0x8f: {  	[sflag:s0] =	ssyncadd.tile.s32 @!p0 $0x1;
	_ =	shalt  }
.Lfunc_end2:
_tile_overlayer_lowered:
.L_overlay_start_2:
0x90: {  	(tag) =	ssettag $0x2  }
0x91: {  	s0 =	rddreg [dreg:$0x0];
	s2 =	stileid.u32  }
0x92: {  	s1 =	rddreg [dreg:$0x1];
	p0 =	sne.s32 s2, $0x0  }
0x93: {  	s3 =	rddreg [dreg:$0x2];
	[bflag:$0x3] =	sbarrier.arrive $0xFFFF;
	s2 =	simm.s32 @!p0 $0x1C0D  }
0x94: {  	[timem:s3], [sflag:s2] =	dma.local @!p0 [hbm:s0], s1  }
0x95: {  	s0 =	simm.s32 @!p0 $0xD  }
0x96: {  	_ =	swait.ge @!p0 [sflag:s0], s1  }
0x97: {  	s1 =	ssub.s32 @!p0 $0x0, s1;
	[sflag:s0] =	ssyncset.done @!p0 $0x0  }
0x98: {  	[sflag:s0] =	ssyncadd.s32 @!p0 s1  }
0x99: {  	[bflag:$0x3] =	sbarrier.arrive $0xFFFF  }
0x9a: {  	_ =	shalt  }

</sc_bundles>
